<compile_context>
chip_gen: v7x
topology: tpu7x:2x2x1
jax: 0.10.2.dev20260603
libtpu: 0.0.44.dev20260713+nightly
codegen_flags: <defaults>
</compile_context>

<pallas_src>
import functools

import jax
import jax.numpy as jnp
from jax import lax
from jax.experimental import pallas as pl
from jax.experimental.pallas import tpu as pltpu
from jax.experimental.pallas import tpu_sc as plsc

_M = 256
_Q = 100
_L = 16
_NCH = _M // _L
_QCH = 7


def _tc_body(pts_ref, it_ref, st_ref, score_ref, cf_ref, tf_ref):
    f32 = jnp.float32
    pts = pts_ref[...]
    a1 = pts[:, 0:3]
    a2 = pts[:, 3:6]

    row = lax.broadcasted_iota(jnp.int32, (_M, _M), 0)
    col = lax.broadcasted_iota(jnp.int32, (_M, _M), 1)
    eye = (row == col).astype(f32)

    def gram(a):
        ab = a.astype(jnp.bfloat16)
        return lax.dot_general(ab, ab, (((1,), (1,)), ((), ())),
                               preferred_element_type=f32)

    def col2row(v):
        return jnp.sum(eye * v, axis=0, keepdims=True)

    def dist(a, G):
        n_col = jnp.sum(a * a, axis=1, keepdims=True)
        n_row = col2row(n_col)
        sq = n_col + n_row - 2.0 * G
        return jnp.sqrt(jnp.maximum(sq, 0.0) + 1e-12)

    d1 = dist(a1, gram(a1))
    d2 = dist(a2, gram(a2))
    dmat = jnp.abs(d1 - d2)

    it = it_ref[0, 0]
    st = st_ref[0, 0]
    sc = jnp.exp(-(dmat * dmat) / (2.0 * it * it))
    sc = jnp.where(sc < st, 0.0, sc)
    scb = sc.astype(jnp.bfloat16)
    sq2 = lax.dot_general(scb, scb, (((1,), (0,)), ((), ())),
                          preferred_element_type=f32)
    s = sc * sq2
    score_ref[...] = s

    snd = s * (1.0 - eye)
    degree = jnp.sum((snd != 0.0).astype(f32), axis=1, keepdims=True)

    third = f32(1.0) / f32(3.0)
    c = jnp.where(snd > 0.0,
                  jnp.exp(jnp.log(jnp.where(snd > 0.0, snd, 1.0)) * third),
                  0.0)
    cc = lax.dot_general(c, c, (((1,), (0,)), ((), ())),
                         preferred_element_type=f32,
                         precision=lax.Precision.HIGHEST)
    wijk = 0.5 * jnp.sum(cc * c, axis=1, keepdims=True)

    invalid = degree <= 1.0
    deg = jnp.where(invalid, 0.0, degree)
    f1 = jnp.where(invalid, 0.0, wijk)
    f2 = deg * (deg - 1.0) * 0.5
    sum_fenzi = jnp.sum(f1)
    sum_fenmu = jnp.sum(f2) + 1e-10
    f2 = jnp.where(invalid, 1.0, f2)
    cf = f1 / f2
    cf_ref[...] = cf
    tf_ref[...] = (sum_fenzi / sum_fenmu).reshape(1, 1)



@functools.partial(
    pl.kernel,
    out_type=jax.ShapeDtypeStruct((_L,), jnp.float32),
    mesh=plsc.VectorSubcoreMesh(core_axis_name="c", subcore_axis_name="s",
                                num_cores=1, num_subcores=1),
    scratch_types=[
        pltpu.VMEM((_M,), jnp.float32),
        pltpu.VMEM((_QCH * _L,), jnp.float32),
        pltpu.VMEM((_QCH * _L,), jnp.float32),
        pltpu.VMEM((_L,), jnp.float32),
    ],
    compiler_params=pltpu.CompilerParams(needs_layout_passes=False),
)
def _otsu_sc(cf_hbm, out_hbm, cf_v, hist_v, shist_v, out_v):
    f32 = jnp.float32
    wid = lax.axis_index("c") * 16 + lax.axis_index("s")

    def sdiv(a, b):
        return jnp.max(jnp.full((_L,), a, f32) / jnp.full((_L,), b, f32))

    @pl.when(wid == 0)
    def _():
        pltpu.sync_copy(cf_hbm, cf_v)
        zeros = jnp.zeros((_L,), f32)
        for b in range(_QCH):
            hist_v[pl.ds(b * _L, _L)] = zeros
            shist_v[pl.ds(b * _L, _L)] = zeros

        maxv = f32(-jnp.inf)
        minv = f32(jnp.inf)
        total = f32(0.0)
        chunks = []
        for i in range(_NCH):
            v = cf_v[pl.ds(i * _L, _L)]
            chunks.append(v)
            maxv = jnp.maximum(maxv, jnp.max(v))
            minv = jnp.minimum(minv, jnp.min(v))
            total = total + jnp.sum(v)
        step = sdiv(maxv - minv, f32(_Q))
        stepg = jnp.where(step == 0.0, 1.0, step)

        ones = jnp.ones((_L,), f32)
        for i in range(_NCH):
            v = chunks[i]
            ids = (v / stepg).astype(jnp.int32)
            ids = jnp.where(ids >= _Q, _Q - 1, ids)
            valid = ids >= 0
            idc = jnp.where(valid, ids, 0)
            plsc.addupdate_scatter(hist_v, [idc], ones, mask=valid)
            plsc.addupdate_scatter(shist_v, [idc], v, mask=valid)

        lane = lax.iota(jnp.int32, _L)
        carry_n = f32(0.0)
        carry_f = f32(0.0)
        best_val = f32(-jnp.inf)
        best_idx = jnp.int32(0)
        for b in range(_QCH):
            h = hist_v[pl.ds(b * _L, _L)]
            sh = shist_v[pl.ds(b * _L, _L)]
            n1 = plsc.cumsum(h) + carry_n
            fore = plsc.cumsum(sh) + carry_f
            carry_n = jnp.max(n1)
            carry_f = jnp.max(fore)
            n2 = f32(_M) - n1
            m1 = fore / jnp.where(n1 == 0.0, 1.0, n1)
            m2 = (total - fore) / jnp.where(n2 == 0.0, 1.0, n2)
            d = m1 - m2
            sb = n1 * n2 * d * d
            qok = (n1 > 0.0) & (n2 > 0.0) & (lane + b * _L < _Q)
            sb = jnp.where(qok, sb, -jnp.inf)
            mc = jnp.max(sb)
            pos = jnp.min(jnp.where(sb == mc, lane, _L))
            new = mc > best_val
            best_val = jnp.where(new, mc, best_val)
            best_idx = jnp.where(new, pos + b * _L, best_idx)
        tval = sdiv(best_idx.astype(f32) * (maxv - minv), f32(_Q))
        th = jnp.where(best_val > -1000.0, tval, 0.0)
        out_v[...] = jnp.zeros((_L,), f32) + th
        pltpu.sync_copy(out_v, out_hbm)


def kernel(points, inlier_thre, score_thresh):
    pts = points.reshape(_M, 6)
    it = jnp.asarray(inlier_thre, jnp.float32).reshape(1, 1)
    st = jnp.asarray(score_thresh, jnp.float32).reshape(1, 1)
    out_shapes = (
        jax.ShapeDtypeStruct((_M, _M), jnp.float32),
        jax.ShapeDtypeStruct((_M, 1), jnp.float32),
        jax.ShapeDtypeStruct((1, 1), jnp.float32),
    )
    s, cf, tf = pl.pallas_call(
        _tc_body,
        out_shape=out_shapes,
    )(pts, it, st)
    th = _otsu_sc(cf.reshape(_M))[0]
    return (s.reshape(1, _M, _M), cf.reshape(_M),
            tf.reshape(()), th.reshape(()))

# --- scband reference (transcript-rebuilt; emitter-appended) ---
"""Pipeline reference for scband-maximal-clique-searcher-80436147519553 (READ-ONLY COPY).

The authoritative reference and input builder live on the scoring server;
editing this copy changes nothing except your own understanding.
"""

import jax, jax.numpy as jnp
import numpy as np


def _cdist(a, b):
    sq = (jnp.sum(a * a, axis=-1)[..., :, None]
          + jnp.sum(b * b, axis=-1)[..., None, :]
          - 2.0 * jnp.einsum('...id,...jd->...ij', a, b))
    return jnp.sqrt(jnp.maximum(sq, 0.0) + 1e-12)


def _otsu_thresh(values):
    Q = 100
    n = values.shape[0]
    svals = jnp.sort(values)
    maxv = svals[-1]
    minv = svals[0]
    step = (maxv - minv) / Q
    ID = (values / jnp.where(step == 0, 1.0, step)).astype(jnp.int32)
    ID = jnp.where(ID >= Q, Q - 1, ID)
    valid = ID >= 0
    idx = jnp.where(valid, ID, 0)
    hist = jnp.zeros((Q,), jnp.float32).at[idx].add(jnp.where(valid, 1.0, 0.0))
    shist = jnp.zeros((Q,), jnp.float32).at[idx].add(jnp.where(valid, values, 0.0))
    total = jnp.sum(values)
    n1 = jnp.cumsum(hist)
    fore = jnp.cumsum(shist)
    n2 = jnp.float32(n) - n1
    m1 = fore / jnp.where(n1 == 0, 1.0, n1)
    m2 = (total - fore) / jnp.where(n2 == 0, 1.0, n2)
    sb = n1 * n2 * (m1 - m2) ** 2
    sb = jnp.where((n1 > 0) & (n2 > 0), sb, -jnp.inf)
    tvals = jnp.arange(Q, dtype=jnp.float32) * (maxv - minv) / Q
    best = jnp.argmax(sb)
    return jnp.where(jnp.max(sb) > -1000.0, tvals[best], jnp.float32(0.0))


def _forward(points, inlier_thre, score_thresh):
    # construct_graph: SC2 compatibility graph
    a1 = points[..., :3]
    a2 = points[..., 3:]
    dmat = jnp.abs(_cdist(a1, a1) - _cdist(a2, a2))
    score = jnp.exp(-dmat ** 2 / (2.0 * inlier_thre * inlier_thre))
    score = jnp.where(score < score_thresh, 0.0, score)
    score = score * jnp.einsum('bmn,bnk->bmk', score, score)  # sc2
    s = score[0]
    # compute_cofficient
    snd = s - jnp.diag(jnp.diag(s))
    degree = jnp.sum((snd != 0).astype(jnp.int32), axis=1)
    # wijk[i,j,k] = (snd[i,j] * snd[k,i] * snd[j,k]) ** (1/3)
    prod = snd[:, :, None] * jnp.transpose(snd)[:, None, :] * snd[None, :, :]
    wijk = jnp.where(prod > 0, jnp.where(prod > 0, prod, 1.0) ** (1.0 / 3.0), 0.0)
    m = s.shape[0]
    mask = jnp.triu(jnp.ones((m, m), jnp.float32), k=1)
    wijk = jnp.sum(wijk * mask[None, :, :], axis=(1, 2))
    invalid = degree <= 1
    deg = jnp.where(invalid, 0, degree).astype(jnp.float32)
    f1 = jnp.where(invalid, 0.0, wijk)
    f2 = deg * (deg - 1.0) * 0.5
    sum_fenzi = jnp.sum(f1)
    sum_fenmu = jnp.sum(f2) + 1e-10
    f2 = jnp.where(invalid, 1.0, f2)
    cluster_factor = f1 / f2
    total_factor = sum_fenzi / sum_fenmu
    # OTSU histogram thresholding of the clustering coefficients
    thresh = _otsu_thresh(cluster_factor)
    return score, cluster_factor, total_factor, thresh


def setup_inputs(seed: int = 0):
    key = jax.random.key(seed)
    points = jax.random.uniform(jax.random.fold_in(key, 1), (1, 256, 6), dtype=jnp.float32)
    inlier_thre = jnp.float32(0.3)
    score_thresh = jnp.float32(0.5)
    return {"points": points, "inlier_thre": inlier_thre, "score_thresh": score_thresh}


def reference(points, inlier_thre, score_thresh):
    return _forward(points, inlier_thre, score_thresh)

if __name__ == "__main__":
    import jax
    _d = setup_inputs()
    print(jax.jit(kernel)(*tuple(_d.values())))

</pallas_src>

<mosaic_0001>
#map = affine_map<(d0, d1) -> (0)>
module attributes {stable_mosaic.version = 14 : i64} {
  func.func @_otsu_sc(%arg0: i32, %arg1: i32, %arg2: memref<256xf32, #tpu.memory_space<hbm>>, %arg3: memref<16xf32, #tpu.memory_space<hbm>>, %arg4: memref<256xf32, #tpu.memory_space<vmem>>, %arg5: memref<112xf32, #tpu.memory_space<vmem>>, %arg6: memref<112xf32, #tpu.memory_space<vmem>>, %arg7: memref<16xf32, #tpu.memory_space<vmem>>) attributes {dimension_semantics = [#tpu.dimension_semantics<core_parallel>, #tpu.dimension_semantics<subcore_parallel>], iteration_bounds = array<i64: 1, 1>, scalar_prefetch = 0 : i64, scratch_operands = 4 : i64, tpu.core_type = #tpu.core_type<sc_vector_subcore>, window_params = [{transform_indices = #map}, {transform_indices = #map}]} {
    %mul3A = arith.constant 16 : i32
    %mul3A_0 = arith.muli %arg0, %mul3A : i32
    %add3A = arith.addi %mul3A_0, %arg1 : i32
    %eq3A = arith.constant 0 : i32
    %eq3A_1 = arith.cmpi eq, %add3A, %eq3A : i32
    %convert_element_type3A = arith.extui %eq3A_1 : i1 to i32
    %cond3A = arith.constant 0 : i32
    %cond3A_2 = arith.cmpi ne, %convert_element_type3A, %cond3A : i32
    scf.if %cond3A_2 {
      "tpu.region"() ({
        %run_scoped3A = tpu.sem_alloc : memref<!tpu.dma_semaphore, #tpu.memory_space<semaphore_mem>>
        tpu.enqueue_dma source(%arg2 : memref<256xf32, #tpu.memory_space<hbm>>) target(%arg4 : memref<256xf32, #tpu.memory_space<vmem>>) target_semaphore(%run_scoped3A : memref<!tpu.dma_semaphore, #tpu.memory_space<semaphore_mem>>)
        tpu.wait_dma2 semaphore(%run_scoped3A : memref<!tpu.dma_semaphore, #tpu.memory_space<semaphore_mem>>) src(%arg2 : memref<256xf32, #tpu.memory_space<hbm>>) dst(%arg4 : memref<256xf32, #tpu.memory_space<vmem>>)
        tpu.yield
      }) : () -> ()
      %broadcast_in_dim3A = arith.constant 0.000000e+00 : f32
      %broadcast_in_dim3A_3 = vector.broadcast %broadcast_in_dim3A : f32 to vector<16xf32>
      %swap3A = arith.constant 0 : index
      %swap3A_4 = tpu.vector_load %arg5[%swap3A] {strides = array<i32>} : memref<112xf32, #tpu.memory_space<vmem>>, vector<16xf32>,
      tpu.vector_store %arg5[%swap3A], %broadcast_in_dim3A_3 {strides = array<i32>} : memref<112xf32, #tpu.memory_space<vmem>>, vector<16xf32>,
      %swap3A_5 = arith.constant 0 : index
      %swap3A_6 = tpu.vector_load %arg6[%swap3A_5] {strides = array<i32>} : memref<112xf32, #tpu.memory_space<vmem>>, vector<16xf32>,
      tpu.vector_store %arg6[%swap3A_5], %broadcast_in_dim3A_3 {strides = array<i32>} : memref<112xf32, #tpu.memory_space<vmem>>, vector<16xf32>,
      %swap3A_7 = arith.constant 16 : index
      %swap3A_8 = tpu.vector_load %arg5[%swap3A_7] {strides = array<i32>} : memref<112xf32, #tpu.memory_space<vmem>>, vector<16xf32>,
      tpu.vector_store %arg5[%swap3A_7], %broadcast_in_dim3A_3 {strides = array<i32>} : memref<112xf32, #tpu.memory_space<vmem>>, vector<16xf32>,
      %swap3A_9 = arith.constant 16 : index
      %swap3A_10 = tpu.vector_load %arg6[%swap3A_9] {strides = array<i32>} : memref<112xf32, #tpu.memory_space<vmem>>, vector<16xf32>,
      tpu.vector_store %arg6[%swap3A_9], %broadcast_in_dim3A_3 {strides = array<i32>} : memref<112xf32, #tpu.memory_space<vmem>>, vector<16xf32>,
      %swap3A_11 = arith.constant 32 : index
      %swap3A_12 = tpu.vector_load %arg5[%swap3A_11] {strides = array<i32>} : memref<112xf32, #tpu.memory_space<vmem>>, vector<16xf32>,
      tpu.vector_store %arg5[%swap3A_11], %broadcast_in_dim3A_3 {strides = array<i32>} : memref<112xf32, #tpu.memory_space<vmem>>, vector<16xf32>,
      %swap3A_13 = arith.constant 32 : index
      %swap3A_14 = tpu.vector_load %arg6[%swap3A_13] {strides = array<i32>} : memref<112xf32, #tpu.memory_space<vmem>>, vector<16xf32>,
      tpu.vector_store %arg6[%swap3A_13], %broadcast_in_dim3A_3 {strides = array<i32>} : memref<112xf32, #tpu.memory_space<vmem>>, vector<16xf32>,
      %swap3A_15 = arith.constant 48 : index
      %swap3A_16 = tpu.vector_load %arg5[%swap3A_15] {strides = array<i32>} : memref<112xf32, #tpu.memory_space<vmem>>, vector<16xf32>,
      tpu.vector_store %arg5[%swap3A_15], %broadcast_in_dim3A_3 {strides = array<i32>} : memref<112xf32, #tpu.memory_space<vmem>>, vector<16xf32>,
      %swap3A_17 = arith.constant 48 : index
      %swap3A_18 = tpu.vector_load %arg6[%swap3A_17] {strides = array<i32>} : memref<112xf32, #tpu.memory_space<vmem>>, vector<16xf32>,
      tpu.vector_store %arg6[%swap3A_17], %broadcast_in_dim3A_3 {strides = array<i32>} : memref<112xf32, #tpu.memory_space<vmem>>, vector<16xf32>,
      %swap3A_19 = arith.constant 64 : index
      %swap3A_20 = tpu.vector_load %arg5[%swap3A_19] {strides = array<i32>} : memref<112xf32, #tpu.memory_space<vmem>>, vector<16xf32>,
      tpu.vector_store %arg5[%swap3A_19], %broadcast_in_dim3A_3 {strides = array<i32>} : memref<112xf32, #tpu.memory_space<vmem>>, vector<16xf32>,
      %swap3A_21 = arith.constant 64 : index
      %swap3A_22 = tpu.vector_load %arg6[%swap3A_21] {strides = array<i32>} : memref<112xf32, #tpu.memory_space<vmem>>, vector<16xf32>,
      tpu.vector_store %arg6[%swap3A_21], %broadcast_in_dim3A_3 {strides = array<i32>} : memref<112xf32, #tpu.memory_space<vmem>>, vector<16xf32>,
      %swap3A_23 = arith.constant 80 : index
      %swap3A_24 = tpu.vector_load %arg5[%swap3A_23] {strides = array<i32>} : memref<112xf32, #tpu.memory_space<vmem>>, vector<16xf32>,
      tpu.vector_store %arg5[%swap3A_23], %broadcast_in_dim3A_3 {strides = array<i32>} : memref<112xf32, #tpu.memory_space<vmem>>, vector<16xf32>,
      %swap3A_25 = arith.constant 80 : index
      %swap3A_26 = tpu.vector_load %arg6[%swap3A_25] {strides = array<i32>} : memref<112xf32, #tpu.memory_space<vmem>>, vector<16xf32>,
      tpu.vector_store %arg6[%swap3A_25], %broadcast_in_dim3A_3 {strides = array<i32>} : memref<112xf32, #tpu.memory_space<vmem>>, vector<16xf32>,
      %swap3A_27 = arith.constant 96 : index
      %swap3A_28 = tpu.vector_load %arg5[%swap3A_27] {strides = array<i32>} : memref<112xf32, #tpu.memory_space<vmem>>, vector<16xf32>,
      tpu.vector_store %arg5[%swap3A_27], %broadcast_in_dim3A_3 {strides = array<i32>} : memref<112xf32, #tpu.memory_space<vmem>>, vector<16xf32>,
      %swap3A_29 = arith.constant 96 : index
      %swap3A_30 = tpu.vector_load %arg6[%swap3A_29] {strides = array<i32>} : memref<112xf32, #tpu.memory_space<vmem>>, vector<16xf32>,
      tpu.vector_store %arg6[%swap3A_29], %broadcast_in_dim3A_3 {strides = array<i32>} : memref<112xf32, #tpu.memory_space<vmem>>, vector<16xf32>,
      %get3A = arith.constant 0 : index
      %get3A_31 = tpu.vector_load %arg4[%get3A] {strides = array<i32>} : memref<256xf32, #tpu.memory_space<vmem>>, vector<16xf32>,
      %reduce_max3A = arith.constant true
      %reduce_max3A_32 = vector.broadcast %reduce_max3A : i1 to vector<16xi1>
      %reduce_max3A_33 = tpu.scan <max>, %get3A_31 masked %reduce_max3A_32 : vector<16xf32>, vector<16xi1> -> vector<16xf32>
      %reduce_max3A_34 = vector.extract %reduce_max3A_33[15] : f32 from vector<16xf32>
      %max3A = arith.constant 0xFF800000 : f32
      %max3A_35 = arith.maximumf %max3A, %reduce_max3A_34 : f32
      %reduce_min3A = arith.constant true
      %reduce_min3A_36 = vector.broadcast %reduce_min3A : i1 to vector<16xi1>
      %reduce_min3A_37 = tpu.scan <min>, %get3A_31 masked %reduce_min3A_36 : vector<16xf32>, vector<16xi1> -> vector<16xf32>
      %reduce_min3A_38 = vector.extract %reduce_min3A_37[15] : f32 from vector<16xf32>
      %min3A = arith.constant 0x7F800000 : f32
      %min3A_39 = arith.minimumf %min3A, %reduce_min3A_38 : f32
      %reduce_sum3A = arith.constant true
      %reduce_sum3A_40 = vector.broadcast %reduce_sum3A : i1 to vector<16xi1>
      %reduce_sum3A_41 = tpu.scan <sum>, %get3A_31 masked %reduce_sum3A_40 : vector<16xf32>, vector<16xi1> -> vector<16xf32>
      %reduce_sum3A_42 = vector.extract %reduce_sum3A_41[15] : f32 from vector<16xf32>
      %add3A_43 = arith.constant 0.000000e+00 : f32
      %add3A_44 = arith.addf %add3A_43, %reduce_sum3A_42 : f32
      %get3A_45 = arith.constant 16 : index
      %get3A_46 = tpu.vector_load %arg4[%get3A_45] {strides = array<i32>} : memref<256xf32, #tpu.memory_space<vmem>>, vector<16xf32>,
      %reduce_max3A_47 = arith.constant true
      %reduce_max3A_48 = vector.broadcast %reduce_max3A_47 : i1 to vector<16xi1>
      %reduce_max3A_49 = tpu.scan <max>, %get3A_46 masked %reduce_max3A_48 : vector<16xf32>, vector<16xi1> -> vector<16xf32>
      %reduce_max3A_50 = vector.extract %reduce_max3A_49[15] : f32 from vector<16xf32>
      %max3A_51 = arith.maximumf %max3A_35, %reduce_max3A_50 : f32
      %reduce_min3A_52 = arith.constant true
      %reduce_min3A_53 = vector.broadcast %reduce_min3A_52 : i1 to vector<16xi1>
      %reduce_min3A_54 = tpu.scan <min>, %get3A_46 masked %reduce_min3A_53 : vector<16xf32>, vector<16xi1> -> vector<16xf32>
      %reduce_min3A_55 = vector.extract %reduce_min3A_54[15] : f32 from vector<16xf32>
      %min3A_56 = arith.minimumf %min3A_39, %reduce_min3A_55 : f32
      %reduce_sum3A_57 = arith.constant true
      %reduce_sum3A_58 = vector.broadcast %reduce_sum3A_57 : i1 to vector<16xi1>
      %reduce_sum3A_59 = tpu.scan <sum>, %get3A_46 masked %reduce_sum3A_58 : vector<16xf32>, vector<16xi1> -> vector<16xf32>
      %reduce_sum3A_60 = vector.extract %reduce_sum3A_59[15] : f32 from vector<16xf32>
      %add3A_61 = arith.addf %add3A_44, %reduce_sum3A_60 : f32
      %get3A_62 = arith.constant 32 : index
      %get3A_63 = tpu.vector_load %arg4[%get3A_62] {strides = array<i32>} : memref<256xf32, #tpu.memory_space<vmem>>, vector<16xf32>,
      %reduce_max3A_64 = arith.constant true
      %reduce_max3A_65 = vector.broadcast %reduce_max3A_64 : i1 to vector<16xi1>
      %reduce_max3A_66 = tpu.scan <max>, %get3A_63 masked %reduce_max3A_65 : vector<16xf32>, vector<16xi1> -> vector<16xf32>
      %reduce_max3A_67 = vector.extract %reduce_max3A_66[15] : f32 from vector<16xf32>
      %max3A_68 = arith.maximumf %max3A_51, %reduce_max3A_67 : f32
      %reduce_min3A_69 = arith.constant true
      %reduce_min3A_70 = vector.broadcast %reduce_min3A_69 : i1 to vector<16xi1>
      %reduce_min3A_71 = tpu.scan <min>, %get3A_63 masked %reduce_min3A_70 : vector<16xf32>, vector<16xi1> -> vector<16xf32>
      %reduce_min3A_72 = vector.extract %reduce_min3A_71[15] : f32 from vector<16xf32>
      %min3A_73 = arith.minimumf %min3A_56, %reduce_min3A_72 : f32
      %reduce_sum3A_74 = arith.constant true
      %reduce_sum3A_75 = vector.broadcast %reduce_sum3A_74 : i1 to vector<16xi1>
      %reduce_sum3A_76 = tpu.scan <sum>, %get3A_63 masked %reduce_sum3A_75 : vector<16xf32>, vector<16xi1> -> vector<16xf32>
      %reduce_sum3A_77 = vector.extract %reduce_sum3A_76[15] : f32 from vector<16xf32>
      %add3A_78 = arith.addf %add3A_61, %reduce_sum3A_77 : f32
      %get3A_79 = arith.constant 48 : index
      %get3A_80 = tpu.vector_load %arg4[%get3A_79] {strides = array<i32>} : memref<256xf32, #tpu.memory_space<vmem>>, vector<16xf32>,
      %reduce_max3A_81 = arith.constant true
      %reduce_max3A_82 = vector.broadcast %reduce_max3A_81 : i1 to vector<16xi1>
      %reduce_max3A_83 = tpu.scan <max>, %get3A_80 masked %reduce_max3A_82 : vector<16xf32>, vector<16xi1> -> vector<16xf32>
      %reduce_max3A_84 = vector.extract %reduce_max3A_83[15] : f32 from vector<16xf32>
      %max3A_85 = arith.maximumf %max3A_68, %reduce_max3A_84 : f32
      %reduce_min3A_86 = arith.constant true
      %reduce_min3A_87 = vector.broadcast %reduce_min3A_86 : i1 to vector<16xi1>
      %reduce_min3A_88 = tpu.scan <min>, %get3A_80 masked %reduce_min3A_87 : vector<16xf32>, vector<16xi1> -> vector<16xf32>
      %reduce_min3A_89 = vector.extract %reduce_min3A_88[15] : f32 from vector<16xf32>
      %min3A_90 = arith.minimumf %min3A_73, %reduce_min3A_89 : f32
      %reduce_sum3A_91 = arith.constant true
      %reduce_sum3A_92 = vector.broadcast %reduce_sum3A_91 : i1 to vector<16xi1>
      %reduce_sum3A_93 = tpu.scan <sum>, %get3A_80 masked %reduce_sum3A_92 : vector<16xf32>, vector<16xi1> -> vector<16xf32>
      %reduce_sum3A_94 = vector.extract %reduce_sum3A_93[15] : f32 from vector<16xf32>
      %add3A_95 = arith.addf %add3A_78, %reduce_sum3A_94 : f32
      %get3A_96 = arith.constant 64 : index
      %get3A_97 = tpu.vector_load %arg4[%get3A_96] {strides = array<i32>} : memref<256xf32, #tpu.memory_space<vmem>>, vector<16xf32>,
      %reduce_max3A_98 = arith.constant true
      %reduce_max3A_99 = vector.broadcast %reduce_max3A_98 : i1 to vector<16xi1>
      %reduce_max3A_100 = tpu.scan <max>, %get3A_97 masked %reduce_max3A_99 : vector<16xf32>, vector<16xi1> -> vector<16xf32>
      %reduce_max3A_101 = vector.extract %reduce_max3A_100[15] : f32 from vector<16xf32>
      %max3A_102 = arith.maximumf %max3A_85, %reduce_max3A_101 : f32
      %reduce_min3A_103 = arith.constant true
      %reduce_min3A_104 = vector.broadcast %reduce_min3A_103 : i1 to vector<16xi1>
      %reduce_min3A_105 = tpu.scan <min>, %get3A_97 masked %reduce_min3A_104 : vector<16xf32>, vector<16xi1> -> vector<16xf32>
      %reduce_min3A_106 = vector.extract %reduce_min3A_105[15] : f32 from vector<16xf32>
      %min3A_107 = arith.minimumf %min3A_90, %reduce_min3A_106 : f32
      %reduce_sum3A_108 = arith.constant true
      %reduce_sum3A_109 = vector.broadcast %reduce_sum3A_108 : i1 to vector<16xi1>
      %reduce_sum3A_110 = tpu.scan <sum>, %get3A_97 masked %reduce_sum3A_109 : vector<16xf32>, vector<16xi1> -> vector<16xf32>
      %reduce_sum3A_111 = vector.extract %reduce_sum3A_110[15] : f32 from vector<16xf32>
      %add3A_112 = arith.addf %add3A_95, %reduce_sum3A_111 : f32
      %get3A_113 = arith.constant 80 : index
      %get3A_114 = tpu.vector_load %arg4[%get3A_113] {strides = array<i32>} : memref<256xf32, #tpu.memory_space<vmem>>, vector<16xf32>,
      %reduce_max3A_115 = arith.constant true
      %reduce_max3A_116 = vector.broadcast %reduce_max3A_115 : i1 to vector<16xi1>
      %reduce_max3A_117 = tpu.scan <max>, %get3A_114 masked %reduce_max3A_116 : vector<16xf32>, vector<16xi1> -> vector<16xf32>
      %reduce_max3A_118 = vector.extract %reduce_max3A_117[15] : f32 from vector<16xf32>
      %max3A_119 = arith.maximumf %max3A_102, %reduce_max3A_118 : f32
      %reduce_min3A_120 = arith.constant true
      %reduce_min3A_121 = vector.broadcast %reduce_min3A_120 : i1 to vector<16xi1>
      %reduce_min3A_122 = tpu.scan <min>, %get3A_114 masked %reduce_min3A_121 : vector<16xf32>, vector<16xi1> -> vector<16xf32>
      %reduce_min3A_123 = vector.extract %reduce_min3A_122[15] : f32 from vector<16xf32>
      %min3A_124 = arith.minimumf %min3A_107, %reduce_min3A_123 : f32
      %reduce_sum3A_125 = arith.constant true
      %reduce_sum3A_126 = vector.broadcast %reduce_sum3A_125 : i1 to vector<16xi1>
      %reduce_sum3A_127 = tpu.scan <sum>, %get3A_114 masked %reduce_sum3A_126 : vector<16xf32>, vector<16xi1> -> vector<16xf32>
      %reduce_sum3A_128 = vector.extract %reduce_sum3A_127[15] : f32 from vector<16xf32>
      %add3A_129 = arith.addf %add3A_112, %reduce_sum3A_128 : f32
      %get3A_130 = arith.constant 96 : index
      %get3A_131 = tpu.vector_load %arg4[%get3A_130] {strides = array<i32>} : memref<256xf32, #tpu.memory_space<vmem>>, vector<16xf32>,
      %reduce_max3A_132 = arith.constant true
      %reduce_max3A_133 = vector.broadcast %reduce_max3A_132 : i1 to vector<16xi1>
      %reduce_max3A_134 = tpu.scan <max>, %get3A_131 masked %reduce_max3A_133 : vector<16xf32>, vector<16xi1> -> vector<16xf32>
      %reduce_max3A_135 = vector.extract %reduce_max3A_134[15] : f32 from vector<16xf32>
      %max3A_136 = arith.maximumf %max3A_119, %reduce_max3A_135 : f32
      %reduce_min3A_137 = arith.constant true
      %reduce_min3A_138 = vector.broadcast %reduce_min3A_137 : i1 to vector<16xi1>
      %reduce_min3A_139 = tpu.scan <min>, %get3A_131 masked %reduce_min3A_138 : vector<16xf32>, vector<16xi1> -> vector<16xf32>
      %reduce_min3A_140 = vector.extract %reduce_min3A_139[15] : f32 from vector<16xf32>
      %min3A_141 = arith.minimumf %min3A_124, %reduce_min3A_140 : f32
      %reduce_sum3A_142 = arith.constant true
      %reduce_sum3A_143 = vector.broadcast %reduce_sum3A_142 : i1 to vector<16xi1>
      %reduce_sum3A_144 = tpu.scan <sum>, %get3A_131 masked %reduce_sum3A_143 : vector<16xf32>, vector<16xi1> -> vector<16xf32>
      %reduce_sum3A_145 = vector.extract %reduce_sum3A_144[15] : f32 from vector<16xf32>
      %add3A_146 = arith.addf %add3A_129, %reduce_sum3A_145 : f32
      %get3A_147 = arith.constant 112 : index
      %get3A_148 = tpu.vector_load %arg4[%get3A_147] {strides = array<i32>} : memref<256xf32, #tpu.memory_space<vmem>>, vector<16xf32>,
      %reduce_max3A_149 = arith.constant true
      %reduce_max3A_150 = vector.broadcast %reduce_max3A_149 : i1 to vector<16xi1>
      %reduce_max3A_151 = tpu.scan <max>, %get3A_148 masked %reduce_max3A_150 : vector<16xf32>, vector<16xi1> -> vector<16xf32>
      %reduce_max3A_152 = vector.extract %reduce_max3A_151[15] : f32 from vector<16xf32>
      %max3A_153 = arith.maximumf %max3A_136, %reduce_max3A_152 : f32
      %reduce_min3A_154 = arith.constant true
      %reduce_min3A_155 = vector.broadcast %reduce_min3A_154 : i1 to vector<16xi1>
      %reduce_min3A_156 = tpu.scan <min>, %get3A_148 masked %reduce_min3A_155 : vector<16xf32>, vector<16xi1> -> vector<16xf32>
      %reduce_min3A_157 = vector.extract %reduce_min3A_156[15] : f32 from vector<16xf32>
      %min3A_158 = arith.minimumf %min3A_141, %reduce_min3A_157 : f32
      %reduce_sum3A_159 = arith.constant true
      %reduce_sum3A_160 = vector.broadcast %reduce_sum3A_159 : i1 to vector<16xi1>
      %reduce_sum3A_161 = tpu.scan <sum>, %get3A_148 masked %reduce_sum3A_160 : vector<16xf32>, vector<16xi1> -> vector<16xf32>
      %reduce_sum3A_162 = vector.extract %reduce_sum3A_161[15] : f32 from vector<16xf32>
      %add3A_163 = arith.addf %add3A_146, %reduce_sum3A_162 : f32
      %get3A_164 = arith.constant 128 : index
      %get3A_165 = tpu.vector_load %arg4[%get3A_164] {strides = array<i32>} : memref<256xf32, #tpu.memory_space<vmem>>, vector<16xf32>,
      %reduce_max3A_166 = arith.constant true
      %reduce_max3A_167 = vector.broadcast %reduce_max3A_166 : i1 to vector<16xi1>
      %reduce_max3A_168 = tpu.scan <max>, %get3A_165 masked %reduce_max3A_167 : vector<16xf32>, vector<16xi1> -> vector<16xf32>
      %reduce_max3A_169 = vector.extract %reduce_max3A_168[15] : f32 from vector<16xf32>
      %max3A_170 = arith.maximumf %max3A_153, %reduce_max3A_169 : f32
      %reduce_min3A_171 = arith.constant true
      %reduce_min3A_172 = vector.broadcast %reduce_min3A_171 : i1 to vector<16xi1>
      %reduce_min3A_173 = tpu.scan <min>, %get3A_165 masked %reduce_min3A_172 : vector<16xf32>, vector<16xi1> -> vector<16xf32>
      %reduce_min3A_174 = vector.extract %reduce_min3A_173[15] : f32 from vector<16xf32>
      %min3A_175 = arith.minimumf %min3A_158, %reduce_min3A_174 : f32
      %reduce_sum3A_176 = arith.constant true
      %reduce_sum3A_177 = vector.broadcast %reduce_sum3A_176 : i1 to vector<16xi1>
      %reduce_sum3A_178 = tpu.scan <sum>, %get3A_165 masked %reduce_sum3A_177 : vector<16xf32>, vector<16xi1> -> vector<16xf32>
      %reduce_sum3A_179 = vector.extract %reduce_sum3A_178[15] : f32 from vector<16xf32>
      %add3A_180 = arith.addf %add3A_163, %reduce_sum3A_179 : f32
      %get3A_181 = arith.constant 144 : index
      %get3A_182 = tpu.vector_load %arg4[%get3A_181] {strides = array<i32>} : memref<256xf32, #tpu.memory_space<vmem>>, vector<16xf32>,
      %reduce_max3A_183 = arith.constant true
      %reduce_max3A_184 = vector.broadcast %reduce_max3A_183 : i1 to vector<16xi1>
      %reduce_max3A_185 = tpu.scan <max>, %get3A_182 masked %reduce_max3A_184 : vector<16xf32>, vector<16xi1> -> vector<16xf32>
      %reduce_max3A_186 = vector.extract %reduce_max3A_185[15] : f32 from vector<16xf32>
      %max3A_187 = arith.maximumf %max3A_170, %reduce_max3A_186 : f32
      %reduce_min3A_188 = arith.constant true
      %reduce_min3A_189 = vector.broadcast %reduce_min3A_188 : i1 to vector<16xi1>
      %reduce_min3A_190 = tpu.scan <min>, %get3A_182 masked %reduce_min3A_189 : vector<16xf32>, vector<16xi1> -> vector<16xf32>
      %reduce_min3A_191 = vector.extract %reduce_min3A_190[15] : f32 from vector<16xf32>
      %min3A_192 = arith.minimumf %min3A_175, %reduce_min3A_191 : f32
      %reduce_sum3A_193 = arith.constant true
      %reduce_sum3A_194 = vector.broadcast %reduce_sum3A_193 : i1 to vector<16xi1>
      %reduce_sum3A_195 = tpu.scan <sum>, %get3A_182 masked %reduce_sum3A_194 : vector<16xf32>, vector<16xi1> -> vector<16xf32>
      %reduce_sum3A_196 = vector.extract %reduce_sum3A_195[15] : f32 from vector<16xf32>
      %add3A_197 = arith.addf %add3A_180, %reduce_sum3A_196 : f32
      %get3A_198 = arith.constant 160 : index
      %get3A_199 = tpu.vector_load %arg4[%get3A_198] {strides = array<i32>} : memref<256xf32, #tpu.memory_space<vmem>>, vector<16xf32>,
      %reduce_max3A_200 = arith.constant true
      %reduce_max3A_201 = vector.broadcast %reduce_max3A_200 : i1 to vector<16xi1>
      %reduce_max3A_202 = tpu.scan <max>, %get3A_199 masked %reduce_max3A_201 : vector<16xf32>, vector<16xi1> -> vector<16xf32>
      %reduce_max3A_203 = vector.extract %reduce_max3A_202[15] : f32 from vector<16xf32>
      %max3A_204 = arith.maximumf %max3A_187, %reduce_max3A_203 : f32
      %reduce_min3A_205 = arith.constant true
      %reduce_min3A_206 = vector.broadcast %reduce_min3A_205 : i1 to vector<16xi1>
      %reduce_min3A_207 = tpu.scan <min>, %get3A_199 masked %reduce_min3A_206 : vector<16xf32>, vector<16xi1> -> vector<16xf32>
      %reduce_min3A_208 = vector.extract %reduce_min3A_207[15] : f32 from vector<16xf32>
      %min3A_209 = arith.minimumf %min3A_192, %reduce_min3A_208 : f32
      %reduce_sum3A_210 = arith.constant true
      %reduce_sum3A_211 = vector.broadcast %reduce_sum3A_210 : i1 to vector<16xi1>
      %reduce_sum3A_212 = tpu.scan <sum>, %get3A_199 masked %reduce_sum3A_211 : vector<16xf32>, vector<16xi1> -> vector<16xf32>
      %reduce_sum3A_213 = vector.extract %reduce_sum3A_212[15] : f32 from vector<16xf32>
      %add3A_214 = arith.addf %add3A_197, %reduce_sum3A_213 : f32
      %get3A_215 = arith.constant 176 : index
      %get3A_216 = tpu.vector_load %arg4[%get3A_215] {strides = array<i32>} : memref<256xf32, #tpu.memory_space<vmem>>, vector<16xf32>,
      %reduce_max3A_217 = arith.constant true
      %reduce_max3A_218 = vector.broadcast %reduce_max3A_217 : i1 to vector<16xi1>
      %reduce_max3A_219 = tpu.scan <max>, %get3A_216 masked %reduce_max3A_218 : vector<16xf32>, vector<16xi1> -> vector<16xf32>
      %reduce_max3A_220 = vector.extract %reduce_max3A_219[15] : f32 from vector<16xf32>
      %max3A_221 = arith.maximumf %max3A_204, %reduce_max3A_220 : f32
      %reduce_min3A_222 = arith.constant true
      %reduce_min3A_223 = vector.broadcast %reduce_min3A_222 : i1 to vector<16xi1>
      %reduce_min3A_224 = tpu.scan <min>, %get3A_216 masked %reduce_min3A_223 : vector<16xf32>, vector<16xi1> -> vector<16xf32>
      %reduce_min3A_225 = vector.extract %reduce_min3A_224[15] : f32 from vector<16xf32>
      %min3A_226 = arith.minimumf %min3A_209, %reduce_min3A_225 : f32
      %reduce_sum3A_227 = arith.constant true
      %reduce_sum3A_228 = vector.broadcast %reduce_sum3A_227 : i1 to vector<16xi1>
      %reduce_sum3A_229 = tpu.scan <sum>, %get3A_216 masked %reduce_sum3A_228 : vector<16xf32>, vector<16xi1> -> vector<16xf32>
      %reduce_sum3A_230 = vector.extract %reduce_sum3A_229[15] : f32 from vector<16xf32>
      %add3A_231 = arith.addf %add3A_214, %reduce_sum3A_230 : f32
      %get3A_232 = arith.constant 192 : index
      %get3A_233 = tpu.vector_load %arg4[%get3A_232] {strides = array<i32>} : memref<256xf32, #tpu.memory_space<vmem>>, vector<16xf32>,
      %reduce_max3A_234 = arith.constant true
      %reduce_max3A_235 = vector.broadcast %reduce_max3A_234 : i1 to vector<16xi1>
      %reduce_max3A_236 = tpu.scan <max>, %get3A_233 masked %reduce_max3A_235 : vector<16xf32>, vector<16xi1> -> vector<16xf32>
      %reduce_max3A_237 = vector.extract %reduce_max3A_236[15] : f32 from vector<16xf32>
      %max3A_238 = arith.maximumf %max3A_221, %reduce_max3A_237 : f32
      %reduce_min3A_239 = arith.constant true
      %reduce_min3A_240 = vector.broadcast %reduce_min3A_239 : i1 to vector<16xi1>
      %reduce_min3A_241 = tpu.scan <min>, %get3A_233 masked %reduce_min3A_240 : vector<16xf32>, vector<16xi1> -> vector<16xf32>
      %reduce_min3A_242 = vector.extract %reduce_min3A_241[15] : f32 from vector<16xf32>
      %min3A_243 = arith.minimumf %min3A_226, %reduce_min3A_242 : f32
      %reduce_sum3A_244 = arith.constant true
      %reduce_sum3A_245 = vector.broadcast %reduce_sum3A_244 : i1 to vector<16xi1>
      %reduce_sum3A_246 = tpu.scan <sum>, %get3A_233 masked %reduce_sum3A_245 : vector<16xf32>, vector<16xi1> -> vector<16xf32>
      %reduce_sum3A_247 = vector.extract %reduce_sum3A_246[15] : f32 from vector<16xf32>
      %add3A_248 = arith.addf %add3A_231, %reduce_sum3A_247 : f32
      %get3A_249 = arith.constant 208 : index
      %get3A_250 = tpu.vector_load %arg4[%get3A_249] {strides = array<i32>} : memref<256xf32, #tpu.memory_space<vmem>>, vector<16xf32>,
      %reduce_max3A_251 = arith.constant true
      %reduce_max3A_252 = vector.broadcast %reduce_max3A_251 : i1 to vector<16xi1>
      %reduce_max3A_253 = tpu.scan <max>, %get3A_250 masked %reduce_max3A_252 : vector<16xf32>, vector<16xi1> -> vector<16xf32>
      %reduce_max3A_254 = vector.extract %reduce_max3A_253[15] : f32 from vector<16xf32>
      %max3A_255 = arith.maximumf %max3A_238, %reduce_max3A_254 : f32
      %reduce_min3A_256 = arith.constant true
      %reduce_min3A_257 = vector.broadcast %reduce_min3A_256 : i1 to vector<16xi1>
      %reduce_min3A_258 = tpu.scan <min>, %get3A_250 masked %reduce_min3A_257 : vector<16xf32>, vector<16xi1> -> vector<16xf32>
      %reduce_min3A_259 = vector.extract %reduce_min3A_258[15] : f32 from vector<16xf32>
      %min3A_260 = arith.minimumf %min3A_243, %reduce_min3A_259 : f32
      %reduce_sum3A_261 = arith.constant true
      %reduce_sum3A_262 = vector.broadcast %reduce_sum3A_261 : i1 to vector<16xi1>
      %reduce_sum3A_263 = tpu.scan <sum>, %get3A_250 masked %reduce_sum3A_262 : vector<16xf32>, vector<16xi1> -> vector<16xf32>
      %reduce_sum3A_264 = vector.extract %reduce_sum3A_263[15] : f32 from vector<16xf32>
      %add3A_265 = arith.addf %add3A_248, %reduce_sum3A_264 : f32
      %get3A_266 = arith.constant 224 : index
      %get3A_267 = tpu.vector_load %arg4[%get3A_266] {strides = array<i32>} : memref<256xf32, #tpu.memory_space<vmem>>, vector<16xf32>,
      %reduce_max3A_268 = arith.constant true
      %reduce_max3A_269 = vector.broadcast %reduce_max3A_268 : i1 to vector<16xi1>
      %reduce_max3A_270 = tpu.scan <max>, %get3A_267 masked %reduce_max3A_269 : vector<16xf32>, vector<16xi1> -> vector<16xf32>
      %reduce_max3A_271 = vector.extract %reduce_max3A_270[15] : f32 from vector<16xf32>
      %max3A_272 = arith.maximumf %max3A_255, %reduce_max3A_271 : f32
      %reduce_min3A_273 = arith.constant true
      %reduce_min3A_274 = vector.broadcast %reduce_min3A_273 : i1 to vector<16xi1>
      %reduce_min3A_275 = tpu.scan <min>, %get3A_267 masked %reduce_min3A_274 : vector<16xf32>, vector<16xi1> -> vector<16xf32>
      %reduce_min3A_276 = vector.extract %reduce_min3A_275[15] : f32 from vector<16xf32>
      %min3A_277 = arith.minimumf %min3A_260, %reduce_min3A_276 : f32
      %reduce_sum3A_278 = arith.constant true
      %reduce_sum3A_279 = vector.broadcast %reduce_sum3A_278 : i1 to vector<16xi1>
      %reduce_sum3A_280 = tpu.scan <sum>, %get3A_267 masked %reduce_sum3A_279 : vector<16xf32>, vector<16xi1> -> vector<16xf32>
      %reduce_sum3A_281 = vector.extract %reduce_sum3A_280[15] : f32 from vector<16xf32>
      %add3A_282 = arith.addf %add3A_265, %reduce_sum3A_281 : f32
      %get3A_283 = arith.constant 240 : index
      %get3A_284 = tpu.vector_load %arg4[%get3A_283] {strides = array<i32>} : memref<256xf32, #tpu.memory_space<vmem>>, vector<16xf32>,
      %reduce_max3A_285 = arith.constant true
      %reduce_max3A_286 = vector.broadcast %reduce_max3A_285 : i1 to vector<16xi1>
      %reduce_max3A_287 = tpu.scan <max>, %get3A_284 masked %reduce_max3A_286 : vector<16xf32>, vector<16xi1> -> vector<16xf32>
      %reduce_max3A_288 = vector.extract %reduce_max3A_287[15] : f32 from vector<16xf32>
      %max3A_289 = arith.maximumf %max3A_272, %reduce_max3A_288 : f32
      %reduce_min3A_290 = arith.constant true
      %reduce_min3A_291 = vector.broadcast %reduce_min3A_290 : i1 to vector<16xi1>
      %reduce_min3A_292 = tpu.scan <min>, %get3A_284 masked %reduce_min3A_291 : vector<16xf32>, vector<16xi1> -> vector<16xf32>
      %reduce_min3A_293 = vector.extract %reduce_min3A_292[15] : f32 from vector<16xf32>
      %min3A_294 = arith.minimumf %min3A_277, %reduce_min3A_293 : f32
      %reduce_sum3A_295 = arith.constant true
      %reduce_sum3A_296 = vector.broadcast %reduce_sum3A_295 : i1 to vector<16xi1>
      %reduce_sum3A_297 = tpu.scan <sum>, %get3A_284 masked %reduce_sum3A_296 : vector<16xf32>, vector<16xi1> -> vector<16xf32>
      %reduce_sum3A_298 = vector.extract %reduce_sum3A_297[15] : f32 from vector<16xf32>
      %add3A_299 = arith.addf %add3A_282, %reduce_sum3A_298 : f32
      %sub3A = arith.subf %max3A_289, %min3A_294 : f32
      %broadcast_in_dim3A_300 = vector.broadcast %sub3A : f32 to vector<16xf32>
      %broadcast_in_dim3A_301 = arith.constant 1.000000e+02 : f32
      %broadcast_in_dim3A_302 = vector.broadcast %broadcast_in_dim3A_301 : f32 to vector<16xf32>
      %div3A = arith.divf %broadcast_in_dim3A_300, %broadcast_in_dim3A_302 : vector<16xf32>
      %reduce_max3A_303 = arith.constant true
      %reduce_max3A_304 = vector.broadcast %reduce_max3A_303 : i1 to vector<16xi1>
      %reduce_max3A_305 = tpu.scan <max>, %div3A masked %reduce_max3A_304 : vector<16xf32>, vector<16xi1> -> vector<16xf32>
      %reduce_max3A_306 = vector.extract %reduce_max3A_305[15] : f32 from vector<16xf32>
      %eq3A_307 = arith.constant 0.000000e+00 : f32
      %eq3A_308 = arith.cmpf oeq, %reduce_max3A_306, %eq3A_307 : f32
      %jit3A = arith.constant 1.000000e+00 : f32
      %select_n3A = arith.select %eq3A_308, %jit3A, %reduce_max3A_306 : f32
      %broadcast_in_dim3A_309 = arith.constant 1.000000e+00 : f32
      %broadcast_in_dim3A_310 = vector.broadcast %broadcast_in_dim3A_309 : f32 to vector<16xf32>
      %div3A_311 = vector.broadcast %select_n3A : f32 to vector<16xf32>
      %div3A_312 = arith.divf %get3A_31, %div3A_311 : vector<16xf32>
      %convert_element_type3A_313 = arith.fptosi %div3A_312 : vector<16xf32> to vector<16xi32>
      %ge3A = arith.constant 100 : i32
      %ge3A_314 = vector.broadcast %ge3A : i32 to vector<16xi32>
      %ge3A_315 = arith.cmpi sge, %convert_element_type3A_313, %ge3A_314 : vector<16xi32>
      %jit3A_316 = arith.constant 99 : i32
      %broadcast_in_dim3A_317 = vector.broadcast %jit3A_316 : i32 to vector<16xi32>
      %select_n3A_318 = arith.select %ge3A_315, %broadcast_in_dim3A_317, %convert_element_type3A_313 : vector<16xi1>, vector<16xi32>
      %ge3A_319 = arith.constant 0 : i32
      %ge3A_320 = vector.broadcast %ge3A_319 : i32 to vector<16xi32>
      %ge3A_321 = arith.cmpi sge, %select_n3A_318, %ge3A_320 : vector<16xi32>
      %jit3A_322 = arith.constant 0 : i32
      %broadcast_in_dim3A_323 = vector.broadcast %jit3A_322 : i32 to vector<16xi32>
      %select_n3A_324 = arith.select %ge3A_321, %select_n3A_318, %broadcast_in_dim3A_323 : vector<16xi1>, vector<16xi32>
      tpu.vector_store_idx %arg5[%select_n3A_324], %broadcast_in_dim3A_310 masked %ge3A_321 {add = true} : memref<112xf32, #tpu.memory_space<vmem>>[vector<16xi32>], vector<16xf32>, vector<16xi1>
      tpu.vector_store_idx %arg6[%select_n3A_324], %get3A_31 masked %ge3A_321 {add = true} : memref<112xf32, #tpu.memory_space<vmem>>[vector<16xi32>], vector<16xf32>, vector<16xi1>
      %div3A_325 = vector.broadcast %select_n3A : f32 to vector<16xf32>
      %div3A_326 = arith.divf %get3A_46, %div3A_325 : vector<16xf32>
      %convert_element_type3A_327 = arith.fptosi %div3A_326 : vector<16xf32> to vector<16xi32>
      %ge3A_328 = arith.constant 100 : i32
      %ge3A_329 = vector.broadcast %ge3A_328 : i32 to vector<16xi32>
      %ge3A_330 = arith.cmpi sge, %convert_element_type3A_327, %ge3A_329 : vector<16xi32>
      %jit3A_331 = arith.constant 99 : i32
      %broadcast_in_dim3A_332 = vector.broadcast %jit3A_331 : i32 to vector<16xi32>
      %select_n3A_333 = arith.select %ge3A_330, %broadcast_in_dim3A_332, %convert_element_type3A_327 : vector<16xi1>, vector<16xi32>
      %ge3A_334 = arith.constant 0 : i32
      %ge3A_335 = vector.broadcast %ge3A_334 : i32 to vector<16xi32>
      %ge3A_336 = arith.cmpi sge, %select_n3A_333, %ge3A_335 : vector<16xi32>
      %jit3A_337 = arith.constant 0 : i32
      %broadcast_in_dim3A_338 = vector.broadcast %jit3A_337 : i32 to vector<16xi32>
      %select_n3A_339 = arith.select %ge3A_336, %select_n3A_333, %broadcast_in_dim3A_338 : vector<16xi1>, vector<16xi32>
      tpu.vector_store_idx %arg5[%select_n3A_339], %broadcast_in_dim3A_310 masked %ge3A_336 {add = true} : memref<112xf32, #tpu.memory_space<vmem>>[vector<16xi32>], vector<16xf32>, vector<16xi1>
      tpu.vector_store_idx %arg6[%select_n3A_339], %get3A_46 masked %ge3A_336 {add = true} : memref<112xf32, #tpu.memory_space<vmem>>[vector<16xi32>], vector<16xf32>, vector<16xi1>
      %div3A_340 = vector.broadcast %select_n3A : f32 to vector<16xf32>
      %div3A_341 = arith.divf %get3A_63, %div3A_340 : vector<16xf32>
      %convert_element_type3A_342 = arith.fptosi %div3A_341 : vector<16xf32> to vector<16xi32>
      %ge3A_343 = arith.constant 100 : i32
      %ge3A_344 = vector.broadcast %ge3A_343 : i32 to vector<16xi32>
      %ge3A_345 = arith.cmpi sge, %convert_element_type3A_342, %ge3A_344 : vector<16xi32>
      %jit3A_346 = arith.constant 99 : i32
      %broadcast_in_dim3A_347 = vector.broadcast %jit3A_346 : i32 to vector<16xi32>
      %select_n3A_348 = arith.select %ge3A_345, %broadcast_in_dim3A_347, %convert_element_type3A_342 : vector<16xi1>, vector<16xi32>
      %ge3A_349 = arith.constant 0 : i32
      %ge3A_350 = vector.broadcast %ge3A_349 : i32 to vector<16xi32>
      %ge3A_351 = arith.cmpi sge, %select_n3A_348, %ge3A_350 : vector<16xi32>
      %jit3A_352 = arith.constant 0 : i32
      %broadcast_in_dim3A_353 = vector.broadcast %jit3A_352 : i32 to vector<16xi32>
      %select_n3A_354 = arith.select %ge3A_351, %select_n3A_348, %broadcast_in_dim3A_353 : vector<16xi1>, vector<16xi32>
      tpu.vector_store_idx %arg5[%select_n3A_354], %broadcast_in_dim3A_310 masked %ge3A_351 {add = true} : memref<112xf32, #tpu.memory_space<vmem>>[vector<16xi32>], vector<16xf32>, vector<16xi1>
      tpu.vector_store_idx %arg6[%select_n3A_354], %get3A_63 masked %ge3A_351 {add = true} : memref<112xf32, #tpu.memory_space<vmem>>[vector<16xi32>], vector<16xf32>, vector<16xi1>
      %div3A_355 = vector.broadcast %select_n3A : f32 to vector<16xf32>
      %div3A_356 = arith.divf %get3A_80, %div3A_355 : vector<16xf32>
      %convert_element_type3A_357 = arith.fptosi %div3A_356 : vector<16xf32> to vector<16xi32>
      %ge3A_358 = arith.constant 100 : i32
      %ge3A_359 = vector.broadcast %ge3A_358 : i32 to vector<16xi32>
      %ge3A_360 = arith.cmpi sge, %convert_element_type3A_357, %ge3A_359 : vector<16xi32>
      %jit3A_361 = arith.constant 99 : i32
      %broadcast_in_dim3A_362 = vector.broadcast %jit3A_361 : i32 to vector<16xi32>
      %select_n3A_363 = arith.select %ge3A_360, %broadcast_in_dim3A_362, %convert_element_type3A_357 : vector<16xi1>, vector<16xi32>
      %ge3A_364 = arith.constant 0 : i32
      %ge3A_365 = vector.broadcast %ge3A_364 : i32 to vector<16xi32>
      %ge3A_366 = arith.cmpi sge, %select_n3A_363, %ge3A_365 : vector<16xi32>
      %jit3A_367 = arith.constant 0 : i32
      %broadcast_in_dim3A_368 = vector.broadcast %jit3A_367 : i32 to vector<16xi32>
      %select_n3A_369 = arith.select %ge3A_366, %select_n3A_363, %broadcast_in_dim3A_368 : vector<16xi1>, vector<16xi32>
      tpu.vector_store_idx %arg5[%select_n3A_369], %broadcast_in_dim3A_310 masked %ge3A_366 {add = true} : memref<112xf32, #tpu.memory_space<vmem>>[vector<16xi32>], vector<16xf32>, vector<16xi1>
      tpu.vector_store_idx %arg6[%select_n3A_369], %get3A_80 masked %ge3A_366 {add = true} : memref<112xf32, #tpu.memory_space<vmem>>[vector<16xi32>], vector<16xf32>, vector<16xi1>
      %div3A_370 = vector.broadcast %select_n3A : f32 to vector<16xf32>
      %div3A_371 = arith.divf %get3A_97, %div3A_370 : vector<16xf32>
      %convert_element_type3A_372 = arith.fptosi %div3A_371 : vector<16xf32> to vector<16xi32>
      %ge3A_373 = arith.constant 100 : i32
      %ge3A_374 = vector.broadcast %ge3A_373 : i32 to vector<16xi32>
      %ge3A_375 = arith.cmpi sge, %convert_element_type3A_372, %ge3A_374 : vector<16xi32>
      %jit3A_376 = arith.constant 99 : i32
      %broadcast_in_dim3A_377 = vector.broadcast %jit3A_376 : i32 to vector<16xi32>
      %select_n3A_378 = arith.select %ge3A_375, %broadcast_in_dim3A_377, %convert_element_type3A_372 : vector<16xi1>, vector<16xi32>
      %ge3A_379 = arith.constant 0 : i32
      %ge3A_380 = vector.broadcast %ge3A_379 : i32 to vector<16xi32>
      %ge3A_381 = arith.cmpi sge, %select_n3A_378, %ge3A_380 : vector<16xi32>
      %jit3A_382 = arith.constant 0 : i32
      %broadcast_in_dim3A_383 = vector.broadcast %jit3A_382 : i32 to vector<16xi32>
      %select_n3A_384 = arith.select %ge3A_381, %select_n3A_378, %broadcast_in_dim3A_383 : vector<16xi1>, vector<16xi32>
      tpu.vector_store_idx %arg5[%select_n3A_384], %broadcast_in_dim3A_310 masked %ge3A_381 {add = true} : memref<112xf32, #tpu.memory_space<vmem>>[vector<16xi32>], vector<16xf32>, vector<16xi1>
      tpu.vector_store_idx %arg6[%select_n3A_384], %get3A_97 masked %ge3A_381 {add = true} : memref<112xf32, #tpu.memory_space<vmem>>[vector<16xi32>], vector<16xf32>, vector<16xi1>
      %div3A_385 = vector.broadcast %select_n3A : f32 to vector<16xf32>
      %div3A_386 = arith.divf %get3A_114, %div3A_385 : vector<16xf32>
      %convert_element_type3A_387 = arith.fptosi %div3A_386 : vector<16xf32> to vector<16xi32>
      %ge3A_388 = arith.constant 100 : i32
      %ge3A_389 = vector.broadcast %ge3A_388 : i32 to vector<16xi32>
      %ge3A_390 = arith.cmpi sge, %convert_element_type3A_387, %ge3A_389 : vector<16xi32>
      %jit3A_391 = arith.constant 99 : i32
      %broadcast_in_dim3A_392 = vector.broadcast %jit3A_391 : i32 to vector<16xi32>
      %select_n3A_393 = arith.select %ge3A_390, %broadcast_in_dim3A_392, %convert_element_type3A_387 : vector<16xi1>, vector<16xi32>
      %ge3A_394 = arith.constant 0 : i32
      %ge3A_395 = vector.broadcast %ge3A_394 : i32 to vector<16xi32>
      %ge3A_396 = arith.cmpi sge, %select_n3A_393, %ge3A_395 : vector<16xi32>
      %jit3A_397 = arith.constant 0 : i32
      %broadcast_in_dim3A_398 = vector.broadcast %jit3A_397 : i32 to vector<16xi32>
      %select_n3A_399 = arith.select %ge3A_396, %select_n3A_393, %broadcast_in_dim3A_398 : vector<16xi1>, vector<16xi32>
      tpu.vector_store_idx %arg5[%select_n3A_399], %broadcast_in_dim3A_310 masked %ge3A_396 {add = true} : memref<112xf32, #tpu.memory_space<vmem>>[vector<16xi32>], vector<16xf32>, vector<16xi1>
      tpu.vector_store_idx %arg6[%select_n3A_399], %get3A_114 masked %ge3A_396 {add = true} : memref<112xf32, #tpu.memory_space<vmem>>[vector<16xi32>], vector<16xf32>, vector<16xi1>
      %div3A_400 = vector.broadcast %select_n3A : f32 to vector<16xf32>
      %div3A_401 = arith.divf %get3A_131, %div3A_400 : vector<16xf32>
      %convert_element_type3A_402 = arith.fptosi %div3A_401 : vector<16xf32> to vector<16xi32>
      %ge3A_403 = arith.constant 100 : i32
      %ge3A_404 = vector.broadcast %ge3A_403 : i32 to vector<16xi32>
      %ge3A_405 = arith.cmpi sge, %convert_element_type3A_402, %ge3A_404 : vector<16xi32>
      %jit3A_406 = arith.constant 99 : i32
      %broadcast_in_dim3A_407 = vector.broadcast %jit3A_406 : i32 to vector<16xi32>
      %select_n3A_408 = arith.select %ge3A_405, %broadcast_in_dim3A_407, %convert_element_type3A_402 : vector<16xi1>, vector<16xi32>
      %ge3A_409 = arith.constant 0 : i32
      %ge3A_410 = vector.broadcast %ge3A_409 : i32 to vector<16xi32>
      %ge3A_411 = arith.cmpi sge, %select_n3A_408, %ge3A_410 : vector<16xi32>
      %jit3A_412 = arith.constant 0 : i32
      %broadcast_in_dim3A_413 = vector.broadcast %jit3A_412 : i32 to vector<16xi32>
      %select_n3A_414 = arith.select %ge3A_411, %select_n3A_408, %broadcast_in_dim3A_413 : vector<16xi1>, vector<16xi32>
      tpu.vector_store_idx %arg5[%select_n3A_414], %broadcast_in_dim3A_310 masked %ge3A_411 {add = true} : memref<112xf32, #tpu.memory_space<vmem>>[vector<16xi32>], vector<16xf32>, vector<16xi1>
      tpu.vector_store_idx %arg6[%select_n3A_414], %get3A_131 masked %ge3A_411 {add = true} : memref<112xf32, #tpu.memory_space<vmem>>[vector<16xi32>], vector<16xf32>, vector<16xi1>
      %div3A_415 = vector.broadcast %select_n3A : f32 to vector<16xf32>
      %div3A_416 = arith.divf %get3A_148, %div3A_415 : vector<16xf32>
      %convert_element_type3A_417 = arith.fptosi %div3A_416 : vector<16xf32> to vector<16xi32>
      %ge3A_418 = arith.constant 100 : i32
      %ge3A_419 = vector.broadcast %ge3A_418 : i32 to vector<16xi32>
      %ge3A_420 = arith.cmpi sge, %convert_element_type3A_417, %ge3A_419 : vector<16xi32>
      %jit3A_421 = arith.constant 99 : i32
      %broadcast_in_dim3A_422 = vector.broadcast %jit3A_421 : i32 to vector<16xi32>
      %select_n3A_423 = arith.select %ge3A_420, %broadcast_in_dim3A_422, %convert_element_type3A_417 : vector<16xi1>, vector<16xi32>
      %ge3A_424 = arith.constant 0 : i32
      %ge3A_425 = vector.broadcast %ge3A_424 : i32 to vector<16xi32>
      %ge3A_426 = arith.cmpi sge, %select_n3A_423, %ge3A_425 : vector<16xi32>
      %jit3A_427 = arith.constant 0 : i32
      %broadcast_in_dim3A_428 = vector.broadcast %jit3A_427 : i32 to vector<16xi32>
      %select_n3A_429 = arith.select %ge3A_426, %select_n3A_423, %broadcast_in_dim3A_428 : vector<16xi1>, vector<16xi32>
      tpu.vector_store_idx %arg5[%select_n3A_429], %broadcast_in_dim3A_310 masked %ge3A_426 {add = true} : memref<112xf32, #tpu.memory_space<vmem>>[vector<16xi32>], vector<16xf32>, vector<16xi1>
      tpu.vector_store_idx %arg6[%select_n3A_429], %get3A_148 masked %ge3A_426 {add = true} : memref<112xf32, #tpu.memory_space<vmem>>[vector<16xi32>], vector<16xf32>, vector<16xi1>
      %div3A_430 = vector.broadcast %select_n3A : f32 to vector<16xf32>
      %div3A_431 = arith.divf %get3A_165, %div3A_430 : vector<16xf32>
      %convert_element_type3A_432 = arith.fptosi %div3A_431 : vector<16xf32> to vector<16xi32>
      %ge3A_433 = arith.constant 100 : i32
      %ge3A_434 = vector.broadcast %ge3A_433 : i32 to vector<16xi32>
      %ge3A_435 = arith.cmpi sge, %convert_element_type3A_432, %ge3A_434 : vector<16xi32>
      %jit3A_436 = arith.constant 99 : i32
      %broadcast_in_dim3A_437 = vector.broadcast %jit3A_436 : i32 to vector<16xi32>
      %select_n3A_438 = arith.select %ge3A_435, %broadcast_in_dim3A_437, %convert_element_type3A_432 : vector<16xi1>, vector<16xi32>
      %ge3A_439 = arith.constant 0 : i32
      %ge3A_440 = vector.broadcast %ge3A_439 : i32 to vector<16xi32>
      %ge3A_441 = arith.cmpi sge, %select_n3A_438, %ge3A_440 : vector<16xi32>
      %jit3A_442 = arith.constant 0 : i32
      %broadcast_in_dim3A_443 = vector.broadcast %jit3A_442 : i32 to vector<16xi32>
      %select_n3A_444 = arith.select %ge3A_441, %select_n3A_438, %broadcast_in_dim3A_443 : vector<16xi1>, vector<16xi32>
      tpu.vector_store_idx %arg5[%select_n3A_444], %broadcast_in_dim3A_310 masked %ge3A_441 {add = true} : memref<112xf32, #tpu.memory_space<vmem>>[vector<16xi32>], vector<16xf32>, vector<16xi1>
      tpu.vector_store_idx %arg6[%select_n3A_444], %get3A_165 masked %ge3A_441 {add = true} : memref<112xf32, #tpu.memory_space<vmem>>[vector<16xi32>], vector<16xf32>, vector<16xi1>
      %div3A_445 = vector.broadcast %select_n3A : f32 to vector<16xf32>
      %div3A_446 = arith.divf %get3A_182, %div3A_445 : vector<16xf32>
      %convert_element_type3A_447 = arith.fptosi %div3A_446 : vector<16xf32> to vector<16xi32>
      %ge3A_448 = arith.constant 100 : i32
      %ge3A_449 = vector.broadcast %ge3A_448 : i32 to vector<16xi32>
      %ge3A_450 = arith.cmpi sge, %convert_element_type3A_447, %ge3A_449 : vector<16xi32>
      %jit3A_451 = arith.constant 99 : i32
      %broadcast_in_dim3A_452 = vector.broadcast %jit3A_451 : i32 to vector<16xi32>
      %select_n3A_453 = arith.select %ge3A_450, %broadcast_in_dim3A_452, %convert_element_type3A_447 : vector<16xi1>, vector<16xi32>
      %ge3A_454 = arith.constant 0 : i32
      %ge3A_455 = vector.broadcast %ge3A_454 : i32 to vector<16xi32>
      %ge3A_456 = arith.cmpi sge, %select_n3A_453, %ge3A_455 : vector<16xi32>
      %jit3A_457 = arith.constant 0 : i32
      %broadcast_in_dim3A_458 = vector.broadcast %jit3A_457 : i32 to vector<16xi32>
      %select_n3A_459 = arith.select %ge3A_456, %select_n3A_453, %broadcast_in_dim3A_458 : vector<16xi1>, vector<16xi32>
      tpu.vector_store_idx %arg5[%select_n3A_459], %broadcast_in_dim3A_310 masked %ge3A_456 {add = true} : memref<112xf32, #tpu.memory_space<vmem>>[vector<16xi32>], vector<16xf32>, vector<16xi1>
      tpu.vector_store_idx %arg6[%select_n3A_459], %get3A_182 masked %ge3A_456 {add = true} : memref<112xf32, #tpu.memory_space<vmem>>[vector<16xi32>], vector<16xf32>, vector<16xi1>
      %div3A_460 = vector.broadcast %select_n3A : f32 to vector<16xf32>
      %div3A_461 = arith.divf %get3A_199, %div3A_460 : vector<16xf32>
      %convert_element_type3A_462 = arith.fptosi %div3A_461 : vector<16xf32> to vector<16xi32>
      %ge3A_463 = arith.constant 100 : i32
      %ge3A_464 = vector.broadcast %ge3A_463 : i32 to vector<16xi32>
      %ge3A_465 = arith.cmpi sge, %convert_element_type3A_462, %ge3A_464 : vector<16xi32>
      %jit3A_466 = arith.constant 99 : i32
      %broadcast_in_dim3A_467 = vector.broadcast %jit3A_466 : i32 to vector<16xi32>
      %select_n3A_468 = arith.select %ge3A_465, %broadcast_in_dim3A_467, %convert_element_type3A_462 : vector<16xi1>, vector<16xi32>
      %ge3A_469 = arith.constant 0 : i32
      %ge3A_470 = vector.broadcast %ge3A_469 : i32 to vector<16xi32>
      %ge3A_471 = arith.cmpi sge, %select_n3A_468, %ge3A_470 : vector<16xi32>
      %jit3A_472 = arith.constant 0 : i32
      %broadcast_in_dim3A_473 = vector.broadcast %jit3A_472 : i32 to vector<16xi32>
      %select_n3A_474 = arith.select %ge3A_471, %select_n3A_468, %broadcast_in_dim3A_473 : vector<16xi1>, vector<16xi32>
      tpu.vector_store_idx %arg5[%select_n3A_474], %broadcast_in_dim3A_310 masked %ge3A_471 {add = true} : memref<112xf32, #tpu.memory_space<vmem>>[vector<16xi32>], vector<16xf32>, vector<16xi1>
      tpu.vector_store_idx %arg6[%select_n3A_474], %get3A_199 masked %ge3A_471 {add = true} : memref<112xf32, #tpu.memory_space<vmem>>[vector<16xi32>], vector<16xf32>, vector<16xi1>
      %div3A_475 = vector.broadcast %select_n3A : f32 to vector<16xf32>
      %div3A_476 = arith.divf %get3A_216, %div3A_475 : vector<16xf32>
      %convert_element_type3A_477 = arith.fptosi %div3A_476 : vector<16xf32> to vector<16xi32>
      %ge3A_478 = arith.constant 100 : i32
      %ge3A_479 = vector.broadcast %ge3A_478 : i32 to vector<16xi32>
      %ge3A_480 = arith.cmpi sge, %convert_element_type3A_477, %ge3A_479 : vector<16xi32>
      %jit3A_481 = arith.constant 99 : i32
      %broadcast_in_dim3A_482 = vector.broadcast %jit3A_481 : i32 to vector<16xi32>
      %select_n3A_483 = arith.select %ge3A_480, %broadcast_in_dim3A_482, %convert_element_type3A_477 : vector<16xi1>, vector<16xi32>
      %ge3A_484 = arith.constant 0 : i32
      %ge3A_485 = vector.broadcast %ge3A_484 : i32 to vector<16xi32>
      %ge3A_486 = arith.cmpi sge, %select_n3A_483, %ge3A_485 : vector<16xi32>
      %jit3A_487 = arith.constant 0 : i32
      %broadcast_in_dim3A_488 = vector.broadcast %jit3A_487 : i32 to vector<16xi32>
      %select_n3A_489 = arith.select %ge3A_486, %select_n3A_483, %broadcast_in_dim3A_488 : vector<16xi1>, vector<16xi32>
      tpu.vector_store_idx %arg5[%select_n3A_489], %broadcast_in_dim3A_310 masked %ge3A_486 {add = true} : memref<112xf32, #tpu.memory_space<vmem>>[vector<16xi32>], vector<16xf32>, vector<16xi1>
      tpu.vector_store_idx %arg6[%select_n3A_489], %get3A_216 masked %ge3A_486 {add = true} : memref<112xf32, #tpu.memory_space<vmem>>[vector<16xi32>], vector<16xf32>, vector<16xi1>
      %div3A_490 = vector.broadcast %select_n3A : f32 to vector<16xf32>
      %div3A_491 = arith.divf %get3A_233, %div3A_490 : vector<16xf32>
      %convert_element_type3A_492 = arith.fptosi %div3A_491 : vector<16xf32> to vector<16xi32>
      %ge3A_493 = arith.constant 100 : i32
      %ge3A_494 = vector.broadcast %ge3A_493 : i32 to vector<16xi32>
      %ge3A_495 = arith.cmpi sge, %convert_element_type3A_492, %ge3A_494 : vector<16xi32>
      %jit3A_496 = arith.constant 99 : i32
      %broadcast_in_dim3A_497 = vector.broadcast %jit3A_496 : i32 to vector<16xi32>
      %select_n3A_498 = arith.select %ge3A_495, %broadcast_in_dim3A_497, %convert_element_type3A_492 : vector<16xi1>, vector<16xi32>
      %ge3A_499 = arith.constant 0 : i32
      %ge3A_500 = vector.broadcast %ge3A_499 : i32 to vector<16xi32>
      %ge3A_501 = arith.cmpi sge, %select_n3A_498, %ge3A_500 : vector<16xi32>
      %jit3A_502 = arith.constant 0 : i32
      %broadcast_in_dim3A_503 = vector.broadcast %jit3A_502 : i32 to vector<16xi32>
      %select_n3A_504 = arith.select %ge3A_501, %select_n3A_498, %broadcast_in_dim3A_503 : vector<16xi1>, vector<16xi32>
      tpu.vector_store_idx %arg5[%select_n3A_504], %broadcast_in_dim3A_310 masked %ge3A_501 {add = true} : memref<112xf32, #tpu.memory_space<vmem>>[vector<16xi32>], vector<16xf32>, vector<16xi1>
      tpu.vector_store_idx %arg6[%select_n3A_504], %get3A_233 masked %ge3A_501 {add = true} : memref<112xf32, #tpu.memory_space<vmem>>[vector<16xi32>], vector<16xf32>, vector<16xi1>
      %div3A_505 = vector.broadcast %select_n3A : f32 to vector<16xf32>
      %div3A_506 = arith.divf %get3A_250, %div3A_505 : vector<16xf32>
      %convert_element_type3A_507 = arith.fptosi %div3A_506 : vector<16xf32> to vector<16xi32>
      %ge3A_508 = arith.constant 100 : i32
      %ge3A_509 = vector.broadcast %ge3A_508 : i32 to vector<16xi32>
      %ge3A_510 = arith.cmpi sge, %convert_element_type3A_507, %ge3A_509 : vector<16xi32>
      %jit3A_511 = arith.constant 99 : i32
      %broadcast_in_dim3A_512 = vector.broadcast %jit3A_511 : i32 to vector<16xi32>
      %select_n3A_513 = arith.select %ge3A_510, %broadcast_in_dim3A_512, %convert_element_type3A_507 : vector<16xi1>, vector<16xi32>
      %ge3A_514 = arith.constant 0 : i32
      %ge3A_515 = vector.broadcast %ge3A_514 : i32 to vector<16xi32>
      %ge3A_516 = arith.cmpi sge, %select_n3A_513, %ge3A_515 : vector<16xi32>
      %jit3A_517 = arith.constant 0 : i32
      %broadcast_in_dim3A_518 = vector.broadcast %jit3A_517 : i32 to vector<16xi32>
      %select_n3A_519 = arith.select %ge3A_516, %select_n3A_513, %broadcast_in_dim3A_518 : vector<16xi1>, vector<16xi32>
      tpu.vector_store_idx %arg5[%select_n3A_519], %broadcast_in_dim3A_310 masked %ge3A_516 {add = true} : memref<112xf32, #tpu.memory_space<vmem>>[vector<16xi32>], vector<16xf32>, vector<16xi1>
      tpu.vector_store_idx %arg6[%select_n3A_519], %get3A_250 masked %ge3A_516 {add = true} : memref<112xf32, #tpu.memory_space<vmem>>[vector<16xi32>], vector<16xf32>, vector<16xi1>
      %div3A_520 = vector.broadcast %select_n3A : f32 to vector<16xf32>
      %div3A_521 = arith.divf %get3A_267, %div3A_520 : vector<16xf32>
      %convert_element_type3A_522 = arith.fptosi %div3A_521 : vector<16xf32> to vector<16xi32>
      %ge3A_523 = arith.constant 100 : i32
      %ge3A_524 = vector.broadcast %ge3A_523 : i32 to vector<16xi32>
      %ge3A_525 = arith.cmpi sge, %convert_element_type3A_522, %ge3A_524 : vector<16xi32>
      %jit3A_526 = arith.constant 99 : i32
      %broadcast_in_dim3A_527 = vector.broadcast %jit3A_526 : i32 to vector<16xi32>
      %select_n3A_528 = arith.select %ge3A_525, %broadcast_in_dim3A_527, %convert_element_type3A_522 : vector<16xi1>, vector<16xi32>
      %ge3A_529 = arith.constant 0 : i32
      %ge3A_530 = vector.broadcast %ge3A_529 : i32 to vector<16xi32>
      %ge3A_531 = arith.cmpi sge, %select_n3A_528, %ge3A_530 : vector<16xi32>
      %jit3A_532 = arith.constant 0 : i32
      %broadcast_in_dim3A_533 = vector.broadcast %jit3A_532 : i32 to vector<16xi32>
      %select_n3A_534 = arith.select %ge3A_531, %select_n3A_528, %broadcast_in_dim3A_533 : vector<16xi1>, vector<16xi32>
      tpu.vector_store_idx %arg5[%select_n3A_534], %broadcast_in_dim3A_310 masked %ge3A_531 {add = true} : memref<112xf32, #tpu.memory_space<vmem>>[vector<16xi32>], vector<16xf32>, vector<16xi1>
      tpu.vector_store_idx %arg6[%select_n3A_534], %get3A_267 masked %ge3A_531 {add = true} : memref<112xf32, #tpu.memory_space<vmem>>[vector<16xi32>], vector<16xf32>, vector<16xi1>
      %div3A_535 = vector.broadcast %select_n3A : f32 to vector<16xf32>
      %div3A_536 = arith.divf %get3A_284, %div3A_535 : vector<16xf32>
      %convert_element_type3A_537 = arith.fptosi %div3A_536 : vector<16xf32> to vector<16xi32>
      %ge3A_538 = arith.constant 100 : i32
      %ge3A_539 = vector.broadcast %ge3A_538 : i32 to vector<16xi32>
      %ge3A_540 = arith.cmpi sge, %convert_element_type3A_537, %ge3A_539 : vector<16xi32>
      %jit3A_541 = arith.constant 99 : i32
      %broadcast_in_dim3A_542 = vector.broadcast %jit3A_541 : i32 to vector<16xi32>
      %select_n3A_543 = arith.select %ge3A_540, %broadcast_in_dim3A_542, %convert_element_type3A_537 : vector<16xi1>, vector<16xi32>
      %ge3A_544 = arith.constant 0 : i32
      %ge3A_545 = vector.broadcast %ge3A_544 : i32 to vector<16xi32>
      %ge3A_546 = arith.cmpi sge, %select_n3A_543, %ge3A_545 : vector<16xi32>
      %jit3A_547 = arith.constant 0 : i32
      %broadcast_in_dim3A_548 = vector.broadcast %jit3A_547 : i32 to vector<16xi32>
      %select_n3A_549 = arith.select %ge3A_546, %select_n3A_543, %broadcast_in_dim3A_548 : vector<16xi1>, vector<16xi32>
      tpu.vector_store_idx %arg5[%select_n3A_549], %broadcast_in_dim3A_310 masked %ge3A_546 {add = true} : memref<112xf32, #tpu.memory_space<vmem>>[vector<16xi32>], vector<16xf32>, vector<16xi1>
      tpu.vector_store_idx %arg6[%select_n3A_549], %get3A_284 masked %ge3A_546 {add = true} : memref<112xf32, #tpu.memory_space<vmem>>[vector<16xi32>], vector<16xf32>, vector<16xi1>
      %iota3A = tpu.iota {dimensions = array<i32: 0>} : vector<16xi32>
      %get3A_550 = arith.constant 0 : index
      %get3A_551 = tpu.vector_load %arg5[%get3A_550] {strides = array<i32>} : memref<112xf32, #tpu.memory_space<vmem>>, vector<16xf32>,
      %get3A_552 = arith.constant 0 : index
      %get3A_553 = tpu.vector_load %arg6[%get3A_552] {strides = array<i32>} : memref<112xf32, #tpu.memory_space<vmem>>, vector<16xf32>,
      %broadcast_in_dim3A_554 = arith.constant true
      %broadcast_in_dim3A_555 = vector.broadcast %broadcast_in_dim3A_554 : i1 to vector<16xi1>
      %masked_cumsum3A = tpu.scan <sum>, %get3A_551 masked %broadcast_in_dim3A_555 : vector<16xf32>, vector<16xi1> -> vector<16xf32>
      %add3A_556 = arith.constant 0.000000e+00 : f32
      %add3A_557 = vector.broadcast %add3A_556 : f32 to vector<16xf32>
      %add3A_558 = arith.addf %masked_cumsum3A, %add3A_557 : vector<16xf32>
      %broadcast_in_dim3A_559 = arith.constant true
      %broadcast_in_dim3A_560 = vector.broadcast %broadcast_in_dim3A_559 : i1 to vector<16xi1>
      %masked_cumsum3A_561 = tpu.scan <sum>, %get3A_553 masked %broadcast_in_dim3A_560 : vector<16xf32>, vector<16xi1> -> vector<16xf32>
      %add3A_562 = arith.constant 0.000000e+00 : f32
      %add3A_563 = vector.broadcast %add3A_562 : f32 to vector<16xf32>
      %add3A_564 = arith.addf %masked_cumsum3A_561, %add3A_563 : vector<16xf32>
      %reduce_max3A_565 = arith.constant true
      %reduce_max3A_566 = vector.broadcast %reduce_max3A_565 : i1 to vector<16xi1>
      %reduce_max3A_567 = tpu.scan <max>, %add3A_558 masked %reduce_max3A_566 : vector<16xf32>, vector<16xi1> -> vector<16xf32>
      %reduce_max3A_568 = vector.extract %reduce_max3A_567[15] : f32 from vector<16xf32>
      %reduce_max3A_569 = arith.constant true
      %reduce_max3A_570 = vector.broadcast %reduce_max3A_569 : i1 to vector<16xi1>
      %reduce_max3A_571 = tpu.scan <max>, %add3A_564 masked %reduce_max3A_570 : vector<16xf32>, vector<16xi1> -> vector<16xf32>
      %reduce_max3A_572 = vector.extract %reduce_max3A_571[15] : f32 from vector<16xf32>
      %sub3A_573 = arith.constant 2.560000e+02 : f32
      %sub3A_574 = vector.broadcast %sub3A_573 : f32 to vector<16xf32>
      %sub3A_575 = arith.subf %sub3A_574, %add3A_558 : vector<16xf32>
      %eq3A_576 = arith.constant 0.000000e+00 : f32
      %eq3A_577 = vector.broadcast %eq3A_576 : f32 to vector<16xf32>
      %eq3A_578 = arith.cmpf oeq, %add3A_558, %eq3A_577 : vector<16xf32>
      %jit3A_579 = arith.constant 1.000000e+00 : f32
      %broadcast_in_dim3A_580 = vector.broadcast %jit3A_579 : f32 to vector<16xf32>
      %select_n3A_581 = arith.select %eq3A_578, %broadcast_in_dim3A_580, %add3A_558 : vector<16xi1>, vector<16xf32>
      %div3A_582 = arith.divf %add3A_564, %select_n3A_581 : vector<16xf32>
      %sub3A_583 = vector.broadcast %add3A_299 : f32 to vector<16xf32>
      %sub3A_584 = arith.subf %sub3A_583, %add3A_564 : vector<16xf32>
      %eq3A_585 = arith.constant 0.000000e+00 : f32
      %eq3A_586 = vector.broadcast %eq3A_585 : f32 to vector<16xf32>
      %eq3A_587 = arith.cmpf oeq, %sub3A_575, %eq3A_586 : vector<16xf32>
      %jit3A_588 = arith.constant 1.000000e+00 : f32
      %broadcast_in_dim3A_589 = vector.broadcast %jit3A_588 : f32 to vector<16xf32>
      %select_n3A_590 = arith.select %eq3A_587, %broadcast_in_dim3A_589, %sub3A_575 : vector<16xi1>, vector<16xf32>
      %div3A_591 = arith.divf %sub3A_584, %select_n3A_590 : vector<16xf32>
      %sub3A_592 = arith.subf %div3A_582, %div3A_591 : vector<16xf32>
      %mul3A_593 = arith.mulf %add3A_558, %sub3A_575 : vector<16xf32>
      %mul3A_594 = arith.mulf %mul3A_593, %sub3A_592 : vector<16xf32>
      %mul3A_595 = arith.mulf %mul3A_594, %sub3A_592 : vector<16xf32>
      %gt3A = arith.constant 0.000000e+00 : f32
      %gt3A_596 = vector.broadcast %gt3A : f32 to vector<16xf32>
      %gt3A_597 = arith.cmpf ogt, %add3A_558, %gt3A_596 : vector<16xf32>
      %gt3A_598 = arith.constant 0.000000e+00 : f32
      %gt3A_599 = vector.broadcast %gt3A_598 : f32 to vector<16xf32>
      %gt3A_600 = arith.cmpf ogt, %sub3A_575, %gt3A_599 : vector<16xf32>
      %and3A = arith.andi %gt3A_597, %gt3A_600 : vector<16xi1>
      %add3A_601 = arith.constant 0 : i32
      %add3A_602 = vector.broadcast %add3A_601 : i32 to vector<16xi32>
      %add3A_603 = arith.addi %iota3A, %add3A_602 : vector<16xi32>
      %lt3A = arith.constant 100 : i32
      %lt3A_604 = vector.broadcast %lt3A : i32 to vector<16xi32>
      %lt3A_605 = arith.cmpi slt, %add3A_603, %lt3A_604 : vector<16xi32>
      %and3A_606 = arith.andi %and3A, %lt3A_605 : vector<16xi1>
      %jit3A_607 = arith.constant 0xFF800000 : f32
      %broadcast_in_dim3A_608 = vector.broadcast %jit3A_607 : f32 to vector<16xf32>
      %select_n3A_609 = arith.select %and3A_606, %mul3A_595, %broadcast_in_dim3A_608 : vector<16xi1>, vector<16xf32>
      %reduce_max3A_610 = arith.constant true
      %reduce_max3A_611 = vector.broadcast %reduce_max3A_610 : i1 to vector<16xi1>
      %reduce_max3A_612 = tpu.scan <max>, %select_n3A_609 masked %reduce_max3A_611 : vector<16xf32>, vector<16xi1> -> vector<16xf32>
      %reduce_max3A_613 = vector.extract %reduce_max3A_612[15] : f32 from vector<16xf32>
      %eq3A_614 = vector.broadcast %reduce_max3A_613 : f32 to vector<16xf32>
      %eq3A_615 = arith.cmpf oeq, %select_n3A_609, %eq3A_614 : vector<16xf32>
      %jit3A_616 = arith.constant 16 : i32
      %broadcast_in_dim3A_617 = vector.broadcast %jit3A_616 : i32 to vector<16xi32>
      %select_n3A_618 = arith.select %eq3A_615, %iota3A, %broadcast_in_dim3A_617 : vector<16xi1>, vector<16xi32>
      %reduce_min3A_619 = arith.constant true
      %reduce_min3A_620 = vector.broadcast %reduce_min3A_619 : i1 to vector<16xi1>
      %reduce_min3A_621 = arith.constant -2147483648 : i32
      %reduce_min3A_622 = vector.broadcast %reduce_min3A_621 : i32 to vector<16xi32>
      %reduce_min3A_623 = arith.xori %select_n3A_618, %reduce_min3A_622 : vector<16xi32>
      %reduce_min3A_624 = tpu.scan <min>, %reduce_min3A_623 masked %reduce_min3A_620 : vector<16xi32>, vector<16xi1> -> vector<16xi32>
      %reduce_min3A_625 = arith.xori %reduce_min3A_624, %reduce_min3A_622 : vector<16xi32>
      %reduce_min3A_626 = vector.extract %reduce_min3A_625[15] : i32 from vector<16xi32>
      %gt3A_627 = arith.constant 0xFF800000 : f32
      %gt3A_628 = arith.cmpf ogt, %reduce_max3A_613, %gt3A_627 : f32
      %jit3A_629 = arith.constant 0xFF800000 : f32
      %select_n3A_630 = arith.select %gt3A_628, %reduce_max3A_613, %jit3A_629 : f32
      %add3A_631 = arith.constant 0 : i32
      %add3A_632 = arith.addi %reduce_min3A_626, %add3A_631 : i32
      %jit3A_633 = arith.constant 0 : i32
      %select_n3A_634 = arith.select %gt3A_628, %add3A_632, %jit3A_633 : i32
      %get3A_635 = arith.constant 16 : index
      %get3A_636 = tpu.vector_load %arg5[%get3A_635] {strides = array<i32>} : memref<112xf32, #tpu.memory_space<vmem>>, vector<16xf32>,
      %get3A_637 = arith.constant 16 : index
      %get3A_638 = tpu.vector_load %arg6[%get3A_637] {strides = array<i32>} : memref<112xf32, #tpu.memory_space<vmem>>, vector<16xf32>,
      %broadcast_in_dim3A_639 = arith.constant true
      %broadcast_in_dim3A_640 = vector.broadcast %broadcast_in_dim3A_639 : i1 to vector<16xi1>
      %masked_cumsum3A_641 = tpu.scan <sum>, %get3A_636 masked %broadcast_in_dim3A_640 : vector<16xf32>, vector<16xi1> -> vector<16xf32>
      %add3A_642 = vector.broadcast %reduce_max3A_568 : f32 to vector<16xf32>
      %add3A_643 = arith.addf %masked_cumsum3A_641, %add3A_642 : vector<16xf32>
      %broadcast_in_dim3A_644 = arith.constant true
      %broadcast_in_dim3A_645 = vector.broadcast %broadcast_in_dim3A_644 : i1 to vector<16xi1>
      %masked_cumsum3A_646 = tpu.scan <sum>, %get3A_638 masked %broadcast_in_dim3A_645 : vector<16xf32>, vector<16xi1> -> vector<16xf32>
      %add3A_647 = vector.broadcast %reduce_max3A_572 : f32 to vector<16xf32>
      %add3A_648 = arith.addf %masked_cumsum3A_646, %add3A_647 : vector<16xf32>
      %reduce_max3A_649 = arith.constant true
      %reduce_max3A_650 = vector.broadcast %reduce_max3A_649 : i1 to vector<16xi1>
      %reduce_max3A_651 = tpu.scan <max>, %add3A_643 masked %reduce_max3A_650 : vector<16xf32>, vector<16xi1> -> vector<16xf32>
      %reduce_max3A_652 = vector.extract %reduce_max3A_651[15] : f32 from vector<16xf32>
      %reduce_max3A_653 = arith.constant true
      %reduce_max3A_654 = vector.broadcast %reduce_max3A_653 : i1 to vector<16xi1>
      %reduce_max3A_655 = tpu.scan <max>, %add3A_648 masked %reduce_max3A_654 : vector<16xf32>, vector<16xi1> -> vector<16xf32>
      %reduce_max3A_656 = vector.extract %reduce_max3A_655[15] : f32 from vector<16xf32>
      %sub3A_657 = arith.constant 2.560000e+02 : f32
      %sub3A_658 = vector.broadcast %sub3A_657 : f32 to vector<16xf32>
      %sub3A_659 = arith.subf %sub3A_658, %add3A_643 : vector<16xf32>
      %eq3A_660 = arith.constant 0.000000e+00 : f32
      %eq3A_661 = vector.broadcast %eq3A_660 : f32 to vector<16xf32>
      %eq3A_662 = arith.cmpf oeq, %add3A_643, %eq3A_661 : vector<16xf32>
      %jit3A_663 = arith.constant 1.000000e+00 : f32
      %broadcast_in_dim3A_664 = vector.broadcast %jit3A_663 : f32 to vector<16xf32>
      %select_n3A_665 = arith.select %eq3A_662, %broadcast_in_dim3A_664, %add3A_643 : vector<16xi1>, vector<16xf32>
      %div3A_666 = arith.divf %add3A_648, %select_n3A_665 : vector<16xf32>
      %sub3A_667 = vector.broadcast %add3A_299 : f32 to vector<16xf32>
      %sub3A_668 = arith.subf %sub3A_667, %add3A_648 : vector<16xf32>
      %eq3A_669 = arith.constant 0.000000e+00 : f32
      %eq3A_670 = vector.broadcast %eq3A_669 : f32 to vector<16xf32>
      %eq3A_671 = arith.cmpf oeq, %sub3A_659, %eq3A_670 : vector<16xf32>
      %jit3A_672 = arith.constant 1.000000e+00 : f32
      %broadcast_in_dim3A_673 = vector.broadcast %jit3A_672 : f32 to vector<16xf32>
      %select_n3A_674 = arith.select %eq3A_671, %broadcast_in_dim3A_673, %sub3A_659 : vector<16xi1>, vector<16xf32>
      %div3A_675 = arith.divf %sub3A_668, %select_n3A_674 : vector<16xf32>
      %sub3A_676 = arith.subf %div3A_666, %div3A_675 : vector<16xf32>
      %mul3A_677 = arith.mulf %add3A_643, %sub3A_659 : vector<16xf32>
      %mul3A_678 = arith.mulf %mul3A_677, %sub3A_676 : vector<16xf32>
      %mul3A_679 = arith.mulf %mul3A_678, %sub3A_676 : vector<16xf32>
      %gt3A_680 = arith.constant 0.000000e+00 : f32
      %gt3A_681 = vector.broadcast %gt3A_680 : f32 to vector<16xf32>
      %gt3A_682 = arith.cmpf ogt, %add3A_643, %gt3A_681 : vector<16xf32>
      %gt3A_683 = arith.constant 0.000000e+00 : f32
      %gt3A_684 = vector.broadcast %gt3A_683 : f32 to vector<16xf32>
      %gt3A_685 = arith.cmpf ogt, %sub3A_659, %gt3A_684 : vector<16xf32>
      %and3A_686 = arith.andi %gt3A_682, %gt3A_685 : vector<16xi1>
      %add3A_687 = arith.constant 16 : i32
      %add3A_688 = vector.broadcast %add3A_687 : i32 to vector<16xi32>
      %add3A_689 = arith.addi %iota3A, %add3A_688 : vector<16xi32>
      %lt3A_690 = arith.constant 100 : i32
      %lt3A_691 = vector.broadcast %lt3A_690 : i32 to vector<16xi32>
      %lt3A_692 = arith.cmpi slt, %add3A_689, %lt3A_691 : vector<16xi32>
      %and3A_693 = arith.andi %and3A_686, %lt3A_692 : vector<16xi1>
      %jit3A_694 = arith.constant 0xFF800000 : f32
      %broadcast_in_dim3A_695 = vector.broadcast %jit3A_694 : f32 to vector<16xf32>
      %select_n3A_696 = arith.select %and3A_693, %mul3A_679, %broadcast_in_dim3A_695 : vector<16xi1>, vector<16xf32>
      %reduce_max3A_697 = arith.constant true
      %reduce_max3A_698 = vector.broadcast %reduce_max3A_697 : i1 to vector<16xi1>
      %reduce_max3A_699 = tpu.scan <max>, %select_n3A_696 masked %reduce_max3A_698 : vector<16xf32>, vector<16xi1> -> vector<16xf32>
      %reduce_max3A_700 = vector.extract %reduce_max3A_699[15] : f32 from vector<16xf32>
      %eq3A_701 = vector.broadcast %reduce_max3A_700 : f32 to vector<16xf32>
      %eq3A_702 = arith.cmpf oeq, %select_n3A_696, %eq3A_701 : vector<16xf32>
      %jit3A_703 = arith.constant 16 : i32
      %broadcast_in_dim3A_704 = vector.broadcast %jit3A_703 : i32 to vector<16xi32>
      %select_n3A_705 = arith.select %eq3A_702, %iota3A, %broadcast_in_dim3A_704 : vector<16xi1>, vector<16xi32>
      %reduce_min3A_706 = arith.constant true
      %reduce_min3A_707 = vector.broadcast %reduce_min3A_706 : i1 to vector<16xi1>
      %reduce_min3A_708 = arith.constant -2147483648 : i32
      %reduce_min3A_709 = vector.broadcast %reduce_min3A_708 : i32 to vector<16xi32>
      %reduce_min3A_710 = arith.xori %select_n3A_705, %reduce_min3A_709 : vector<16xi32>
      %reduce_min3A_711 = tpu.scan <min>, %reduce_min3A_710 masked %reduce_min3A_707 : vector<16xi32>, vector<16xi1> -> vector<16xi32>
      %reduce_min3A_712 = arith.xori %reduce_min3A_711, %reduce_min3A_709 : vector<16xi32>
      %reduce_min3A_713 = vector.extract %reduce_min3A_712[15] : i32 from vector<16xi32>
      %gt3A_714 = arith.cmpf ogt, %reduce_max3A_700, %select_n3A_630 : f32
      %select_n3A_715 = arith.select %gt3A_714, %reduce_max3A_700, %select_n3A_630 : f32
      %add3A_716 = arith.constant 16 : i32
      %add3A_717 = arith.addi %reduce_min3A_713, %add3A_716 : i32
      %select_n3A_718 = arith.select %gt3A_714, %add3A_717, %select_n3A_634 : i32
      %get3A_719 = arith.constant 32 : index
      %get3A_720 = tpu.vector_load %arg5[%get3A_719] {strides = array<i32>} : memref<112xf32, #tpu.memory_space<vmem>>, vector<16xf32>,
      %get3A_721 = arith.constant 32 : index
      %get3A_722 = tpu.vector_load %arg6[%get3A_721] {strides = array<i32>} : memref<112xf32, #tpu.memory_space<vmem>>, vector<16xf32>,
      %broadcast_in_dim3A_723 = arith.constant true
      %broadcast_in_dim3A_724 = vector.broadcast %broadcast_in_dim3A_723 : i1 to vector<16xi1>
      %masked_cumsum3A_725 = tpu.scan <sum>, %get3A_720 masked %broadcast_in_dim3A_724 : vector<16xf32>, vector<16xi1> -> vector<16xf32>
      %add3A_726 = vector.broadcast %reduce_max3A_652 : f32 to vector<16xf32>
      %add3A_727 = arith.addf %masked_cumsum3A_725, %add3A_726 : vector<16xf32>
      %broadcast_in_dim3A_728 = arith.constant true
      %broadcast_in_dim3A_729 = vector.broadcast %broadcast_in_dim3A_728 : i1 to vector<16xi1>
      %masked_cumsum3A_730 = tpu.scan <sum>, %get3A_722 masked %broadcast_in_dim3A_729 : vector<16xf32>, vector<16xi1> -> vector<16xf32>
      %add3A_731 = vector.broadcast %reduce_max3A_656 : f32 to vector<16xf32>
      %add3A_732 = arith.addf %masked_cumsum3A_730, %add3A_731 : vector<16xf32>
      %reduce_max3A_733 = arith.constant true
      %reduce_max3A_734 = vector.broadcast %reduce_max3A_733 : i1 to vector<16xi1>
      %reduce_max3A_735 = tpu.scan <max>, %add3A_727 masked %reduce_max3A_734 : vector<16xf32>, vector<16xi1> -> vector<16xf32>
      %reduce_max3A_736 = vector.extract %reduce_max3A_735[15] : f32 from vector<16xf32>
      %reduce_max3A_737 = arith.constant true
      %reduce_max3A_738 = vector.broadcast %reduce_max3A_737 : i1 to vector<16xi1>
      %reduce_max3A_739 = tpu.scan <max>, %add3A_732 masked %reduce_max3A_738 : vector<16xf32>, vector<16xi1> -> vector<16xf32>
      %reduce_max3A_740 = vector.extract %reduce_max3A_739[15] : f32 from vector<16xf32>
      %sub3A_741 = arith.constant 2.560000e+02 : f32
      %sub3A_742 = vector.broadcast %sub3A_741 : f32 to vector<16xf32>
      %sub3A_743 = arith.subf %sub3A_742, %add3A_727 : vector<16xf32>
      %eq3A_744 = arith.constant 0.000000e+00 : f32
      %eq3A_745 = vector.broadcast %eq3A_744 : f32 to vector<16xf32>
      %eq3A_746 = arith.cmpf oeq, %add3A_727, %eq3A_745 : vector<16xf32>
      %jit3A_747 = arith.constant 1.000000e+00 : f32
      %broadcast_in_dim3A_748 = vector.broadcast %jit3A_747 : f32 to vector<16xf32>
      %select_n3A_749 = arith.select %eq3A_746, %broadcast_in_dim3A_748, %add3A_727 : vector<16xi1>, vector<16xf32>
      %div3A_750 = arith.divf %add3A_732, %select_n3A_749 : vector<16xf32>
      %sub3A_751 = vector.broadcast %add3A_299 : f32 to vector<16xf32>
      %sub3A_752 = arith.subf %sub3A_751, %add3A_732 : vector<16xf32>
      %eq3A_753 = arith.constant 0.000000e+00 : f32
      %eq3A_754 = vector.broadcast %eq3A_753 : f32 to vector<16xf32>
      %eq3A_755 = arith.cmpf oeq, %sub3A_743, %eq3A_754 : vector<16xf32>
      %jit3A_756 = arith.constant 1.000000e+00 : f32
      %broadcast_in_dim3A_757 = vector.broadcast %jit3A_756 : f32 to vector<16xf32>
      %select_n3A_758 = arith.select %eq3A_755, %broadcast_in_dim3A_757, %sub3A_743 : vector<16xi1>, vector<16xf32>
      %div3A_759 = arith.divf %sub3A_752, %select_n3A_758 : vector<16xf32>
      %sub3A_760 = arith.subf %div3A_750, %div3A_759 : vector<16xf32>
      %mul3A_761 = arith.mulf %add3A_727, %sub3A_743 : vector<16xf32>
      %mul3A_762 = arith.mulf %mul3A_761, %sub3A_760 : vector<16xf32>
      %mul3A_763 = arith.mulf %mul3A_762, %sub3A_760 : vector<16xf32>
      %gt3A_764 = arith.constant 0.000000e+00 : f32
      %gt3A_765 = vector.broadcast %gt3A_764 : f32 to vector<16xf32>
      %gt3A_766 = arith.cmpf ogt, %add3A_727, %gt3A_765 : vector<16xf32>
      %gt3A_767 = arith.constant 0.000000e+00 : f32
      %gt3A_768 = vector.broadcast %gt3A_767 : f32 to vector<16xf32>
      %gt3A_769 = arith.cmpf ogt, %sub3A_743, %gt3A_768 : vector<16xf32>
      %and3A_770 = arith.andi %gt3A_766, %gt3A_769 : vector<16xi1>
      %add3A_771 = arith.constant 32 : i32
      %add3A_772 = vector.broadcast %add3A_771 : i32 to vector<16xi32>
      %add3A_773 = arith.addi %iota3A, %add3A_772 : vector<16xi32>
      %lt3A_774 = arith.constant 100 : i32
      %lt3A_775 = vector.broadcast %lt3A_774 : i32 to vector<16xi32>
      %lt3A_776 = arith.cmpi slt, %add3A_773, %lt3A_775 : vector<16xi32>
      %and3A_777 = arith.andi %and3A_770, %lt3A_776 : vector<16xi1>
      %jit3A_778 = arith.constant 0xFF800000 : f32
      %broadcast_in_dim3A_779 = vector.broadcast %jit3A_778 : f32 to vector<16xf32>
      %select_n3A_780 = arith.select %and3A_777, %mul3A_763, %broadcast_in_dim3A_779 : vector<16xi1>, vector<16xf32>
      %reduce_max3A_781 = arith.constant true
      %reduce_max3A_782 = vector.broadcast %reduce_max3A_781 : i1 to vector<16xi1>
      %reduce_max3A_783 = tpu.scan <max>, %select_n3A_780 masked %reduce_max3A_782 : vector<16xf32>, vector<16xi1> -> vector<16xf32>
      %reduce_max3A_784 = vector.extract %reduce_max3A_783[15] : f32 from vector<16xf32>
      %eq3A_785 = vector.broadcast %reduce_max3A_784 : f32 to vector<16xf32>
      %eq3A_786 = arith.cmpf oeq, %select_n3A_780, %eq3A_785 : vector<16xf32>
      %jit3A_787 = arith.constant 16 : i32
      %broadcast_in_dim3A_788 = vector.broadcast %jit3A_787 : i32 to vector<16xi32>
      %select_n3A_789 = arith.select %eq3A_786, %iota3A, %broadcast_in_dim3A_788 : vector<16xi1>, vector<16xi32>
      %reduce_min3A_790 = arith.constant true
      %reduce_min3A_791 = vector.broadcast %reduce_min3A_790 : i1 to vector<16xi1>
      %reduce_min3A_792 = arith.constant -2147483648 : i32
      %reduce_min3A_793 = vector.broadcast %reduce_min3A_792 : i32 to vector<16xi32>
      %reduce_min3A_794 = arith.xori %select_n3A_789, %reduce_min3A_793 : vector<16xi32>
      %reduce_min3A_795 = tpu.scan <min>, %reduce_min3A_794 masked %reduce_min3A_791 : vector<16xi32>, vector<16xi1> -> vector<16xi32>
      %reduce_min3A_796 = arith.xori %reduce_min3A_795, %reduce_min3A_793 : vector<16xi32>
      %reduce_min3A_797 = vector.extract %reduce_min3A_796[15] : i32 from vector<16xi32>
      %gt3A_798 = arith.cmpf ogt, %reduce_max3A_784, %select_n3A_715 : f32
      %select_n3A_799 = arith.select %gt3A_798, %reduce_max3A_784, %select_n3A_715 : f32
      %add3A_800 = arith.constant 32 : i32
      %add3A_801 = arith.addi %reduce_min3A_797, %add3A_800 : i32
      %select_n3A_802 = arith.select %gt3A_798, %add3A_801, %select_n3A_718 : i32
      %get3A_803 = arith.constant 48 : index
      %get3A_804 = tpu.vector_load %arg5[%get3A_803] {strides = array<i32>} : memref<112xf32, #tpu.memory_space<vmem>>, vector<16xf32>,
      %get3A_805 = arith.constant 48 : index
      %get3A_806 = tpu.vector_load %arg6[%get3A_805] {strides = array<i32>} : memref<112xf32, #tpu.memory_space<vmem>>, vector<16xf32>,
      %broadcast_in_dim3A_807 = arith.constant true
      %broadcast_in_dim3A_808 = vector.broadcast %broadcast_in_dim3A_807 : i1 to vector<16xi1>
      %masked_cumsum3A_809 = tpu.scan <sum>, %get3A_804 masked %broadcast_in_dim3A_808 : vector<16xf32>, vector<16xi1> -> vector<16xf32>
      %add3A_810 = vector.broadcast %reduce_max3A_736 : f32 to vector<16xf32>
      %add3A_811 = arith.addf %masked_cumsum3A_809, %add3A_810 : vector<16xf32>
      %broadcast_in_dim3A_812 = arith.constant true
      %broadcast_in_dim3A_813 = vector.broadcast %broadcast_in_dim3A_812 : i1 to vector<16xi1>
      %masked_cumsum3A_814 = tpu.scan <sum>, %get3A_806 masked %broadcast_in_dim3A_813 : vector<16xf32>, vector<16xi1> -> vector<16xf32>
      %add3A_815 = vector.broadcast %reduce_max3A_740 : f32 to vector<16xf32>
      %add3A_816 = arith.addf %masked_cumsum3A_814, %add3A_815 : vector<16xf32>
      %reduce_max3A_817 = arith.constant true
      %reduce_max3A_818 = vector.broadcast %reduce_max3A_817 : i1 to vector<16xi1>
      %reduce_max3A_819 = tpu.scan <max>, %add3A_811 masked %reduce_max3A_818 : vector<16xf32>, vector<16xi1> -> vector<16xf32>
      %reduce_max3A_820 = vector.extract %reduce_max3A_819[15] : f32 from vector<16xf32>
      %reduce_max3A_821 = arith.constant true
      %reduce_max3A_822 = vector.broadcast %reduce_max3A_821 : i1 to vector<16xi1>
      %reduce_max3A_823 = tpu.scan <max>, %add3A_816 masked %reduce_max3A_822 : vector<16xf32>, vector<16xi1> -> vector<16xf32>
      %reduce_max3A_824 = vector.extract %reduce_max3A_823[15] : f32 from vector<16xf32>
      %sub3A_825 = arith.constant 2.560000e+02 : f32
      %sub3A_826 = vector.broadcast %sub3A_825 : f32 to vector<16xf32>
      %sub3A_827 = arith.subf %sub3A_826, %add3A_811 : vector<16xf32>
      %eq3A_828 = arith.constant 0.000000e+00 : f32
      %eq3A_829 = vector.broadcast %eq3A_828 : f32 to vector<16xf32>
      %eq3A_830 = arith.cmpf oeq, %add3A_811, %eq3A_829 : vector<16xf32>
      %jit3A_831 = arith.constant 1.000000e+00 : f32
      %broadcast_in_dim3A_832 = vector.broadcast %jit3A_831 : f32 to vector<16xf32>
      %select_n3A_833 = arith.select %eq3A_830, %broadcast_in_dim3A_832, %add3A_811 : vector<16xi1>, vector<16xf32>
      %div3A_834 = arith.divf %add3A_816, %select_n3A_833 : vector<16xf32>
      %sub3A_835 = vector.broadcast %add3A_299 : f32 to vector<16xf32>
      %sub3A_836 = arith.subf %sub3A_835, %add3A_816 : vector<16xf32>
      %eq3A_837 = arith.constant 0.000000e+00 : f32
      %eq3A_838 = vector.broadcast %eq3A_837 : f32 to vector<16xf32>
      %eq3A_839 = arith.cmpf oeq, %sub3A_827, %eq3A_838 : vector<16xf32>
      %jit3A_840 = arith.constant 1.000000e+00 : f32
      %broadcast_in_dim3A_841 = vector.broadcast %jit3A_840 : f32 to vector<16xf32>
      %select_n3A_842 = arith.select %eq3A_839, %broadcast_in_dim3A_841, %sub3A_827 : vector<16xi1>, vector<16xf32>
      %div3A_843 = arith.divf %sub3A_836, %select_n3A_842 : vector<16xf32>
      %sub3A_844 = arith.subf %div3A_834, %div3A_843 : vector<16xf32>
      %mul3A_845 = arith.mulf %add3A_811, %sub3A_827 : vector<16xf32>
      %mul3A_846 = arith.mulf %mul3A_845, %sub3A_844 : vector<16xf32>
      %mul3A_847 = arith.mulf %mul3A_846, %sub3A_844 : vector<16xf32>
      %gt3A_848 = arith.constant 0.000000e+00 : f32
      %gt3A_849 = vector.broadcast %gt3A_848 : f32 to vector<16xf32>
      %gt3A_850 = arith.cmpf ogt, %add3A_811, %gt3A_849 : vector<16xf32>
      %gt3A_851 = arith.constant 0.000000e+00 : f32
      %gt3A_852 = vector.broadcast %gt3A_851 : f32 to vector<16xf32>
      %gt3A_853 = arith.cmpf ogt, %sub3A_827, %gt3A_852 : vector<16xf32>
      %and3A_854 = arith.andi %gt3A_850, %gt3A_853 : vector<16xi1>
      %add3A_855 = arith.constant 48 : i32
      %add3A_856 = vector.broadcast %add3A_855 : i32 to vector<16xi32>
      %add3A_857 = arith.addi %iota3A, %add3A_856 : vector<16xi32>
      %lt3A_858 = arith.constant 100 : i32
      %lt3A_859 = vector.broadcast %lt3A_858 : i32 to vector<16xi32>
      %lt3A_860 = arith.cmpi slt, %add3A_857, %lt3A_859 : vector<16xi32>
      %and3A_861 = arith.andi %and3A_854, %lt3A_860 : vector<16xi1>
      %jit3A_862 = arith.constant 0xFF800000 : f32
      %broadcast_in_dim3A_863 = vector.broadcast %jit3A_862 : f32 to vector<16xf32>
      %select_n3A_864 = arith.select %and3A_861, %mul3A_847, %broadcast_in_dim3A_863 : vector<16xi1>, vector<16xf32>
      %reduce_max3A_865 = arith.constant true
      %reduce_max3A_866 = vector.broadcast %reduce_max3A_865 : i1 to vector<16xi1>
      %reduce_max3A_867 = tpu.scan <max>, %select_n3A_864 masked %reduce_max3A_866 : vector<16xf32>, vector<16xi1> -> vector<16xf32>
      %reduce_max3A_868 = vector.extract %reduce_max3A_867[15] : f32 from vector<16xf32>
      %eq3A_869 = vector.broadcast %reduce_max3A_868 : f32 to vector<16xf32>
      %eq3A_870 = arith.cmpf oeq, %select_n3A_864, %eq3A_869 : vector<16xf32>
      %jit3A_871 = arith.constant 16 : i32
      %broadcast_in_dim3A_872 = vector.broadcast %jit3A_871 : i32 to vector<16xi32>
      %select_n3A_873 = arith.select %eq3A_870, %iota3A, %broadcast_in_dim3A_872 : vector<16xi1>, vector<16xi32>
      %reduce_min3A_874 = arith.constant true
      %reduce_min3A_875 = vector.broadcast %reduce_min3A_874 : i1 to vector<16xi1>
      %reduce_min3A_876 = arith.constant -2147483648 : i32
      %reduce_min3A_877 = vector.broadcast %reduce_min3A_876 : i32 to vector<16xi32>
      %reduce_min3A_878 = arith.xori %select_n3A_873, %reduce_min3A_877 : vector<16xi32>
      %reduce_min3A_879 = tpu.scan <min>, %reduce_min3A_878 masked %reduce_min3A_875 : vector<16xi32>, vector<16xi1> -> vector<16xi32>
      %reduce_min3A_880 = arith.xori %reduce_min3A_879, %reduce_min3A_877 : vector<16xi32>
      %reduce_min3A_881 = vector.extract %reduce_min3A_880[15] : i32 from vector<16xi32>
      %gt3A_882 = arith.cmpf ogt, %reduce_max3A_868, %select_n3A_799 : f32
      %select_n3A_883 = arith.select %gt3A_882, %reduce_max3A_868, %select_n3A_799 : f32
      %add3A_884 = arith.constant 48 : i32
      %add3A_885 = arith.addi %reduce_min3A_881, %add3A_884 : i32
      %select_n3A_886 = arith.select %gt3A_882, %add3A_885, %select_n3A_802 : i32
      %get3A_887 = arith.constant 64 : index
      %get3A_888 = tpu.vector_load %arg5[%get3A_887] {strides = array<i32>} : memref<112xf32, #tpu.memory_space<vmem>>, vector<16xf32>,
      %get3A_889 = arith.constant 64 : index
      %get3A_890 = tpu.vector_load %arg6[%get3A_889] {strides = array<i32>} : memref<112xf32, #tpu.memory_space<vmem>>, vector<16xf32>,
      %broadcast_in_dim3A_891 = arith.constant true
      %broadcast_in_dim3A_892 = vector.broadcast %broadcast_in_dim3A_891 : i1 to vector<16xi1>
      %masked_cumsum3A_893 = tpu.scan <sum>, %get3A_888 masked %broadcast_in_dim3A_892 : vector<16xf32>, vector<16xi1> -> vector<16xf32>
      %add3A_894 = vector.broadcast %reduce_max3A_820 : f32 to vector<16xf32>
      %add3A_895 = arith.addf %masked_cumsum3A_893, %add3A_894 : vector<16xf32>
      %broadcast_in_dim3A_896 = arith.constant true
      %broadcast_in_dim3A_897 = vector.broadcast %broadcast_in_dim3A_896 : i1 to vector<16xi1>
      %masked_cumsum3A_898 = tpu.scan <sum>, %get3A_890 masked %broadcast_in_dim3A_897 : vector<16xf32>, vector<16xi1> -> vector<16xf32>
      %add3A_899 = vector.broadcast %reduce_max3A_824 : f32 to vector<16xf32>
      %add3A_900 = arith.addf %masked_cumsum3A_898, %add3A_899 : vector<16xf32>
      %reduce_max3A_901 = arith.constant true
      %reduce_max3A_902 = vector.broadcast %reduce_max3A_901 : i1 to vector<16xi1>
      %reduce_max3A_903 = tpu.scan <max>, %add3A_895 masked %reduce_max3A_902 : vector<16xf32>, vector<16xi1> -> vector<16xf32>
      %reduce_max3A_904 = vector.extract %reduce_max3A_903[15] : f32 from vector<16xf32>
      %reduce_max3A_905 = arith.constant true
      %reduce_max3A_906 = vector.broadcast %reduce_max3A_905 : i1 to vector<16xi1>
      %reduce_max3A_907 = tpu.scan <max>, %add3A_900 masked %reduce_max3A_906 : vector<16xf32>, vector<16xi1> -> vector<16xf32>
      %reduce_max3A_908 = vector.extract %reduce_max3A_907[15] : f32 from vector<16xf32>
      %sub3A_909 = arith.constant 2.560000e+02 : f32
      %sub3A_910 = vector.broadcast %sub3A_909 : f32 to vector<16xf32>
      %sub3A_911 = arith.subf %sub3A_910, %add3A_895 : vector<16xf32>
      %eq3A_912 = arith.constant 0.000000e+00 : f32
      %eq3A_913 = vector.broadcast %eq3A_912 : f32 to vector<16xf32>
      %eq3A_914 = arith.cmpf oeq, %add3A_895, %eq3A_913 : vector<16xf32>
      %jit3A_915 = arith.constant 1.000000e+00 : f32
      %broadcast_in_dim3A_916 = vector.broadcast %jit3A_915 : f32 to vector<16xf32>
      %select_n3A_917 = arith.select %eq3A_914, %broadcast_in_dim3A_916, %add3A_895 : vector<16xi1>, vector<16xf32>
      %div3A_918 = arith.divf %add3A_900, %select_n3A_917 : vector<16xf32>
      %sub3A_919 = vector.broadcast %add3A_299 : f32 to vector<16xf32>
      %sub3A_920 = arith.subf %sub3A_919, %add3A_900 : vector<16xf32>
      %eq3A_921 = arith.constant 0.000000e+00 : f32
      %eq3A_922 = vector.broadcast %eq3A_921 : f32 to vector<16xf32>
      %eq3A_923 = arith.cmpf oeq, %sub3A_911, %eq3A_922 : vector<16xf32>
      %jit3A_924 = arith.constant 1.000000e+00 : f32
      %broadcast_in_dim3A_925 = vector.broadcast %jit3A_924 : f32 to vector<16xf32>
      %select_n3A_926 = arith.select %eq3A_923, %broadcast_in_dim3A_925, %sub3A_911 : vector<16xi1>, vector<16xf32>
      %div3A_927 = arith.divf %sub3A_920, %select_n3A_926 : vector<16xf32>
      %sub3A_928 = arith.subf %div3A_918, %div3A_927 : vector<16xf32>
      %mul3A_929 = arith.mulf %add3A_895, %sub3A_911 : vector<16xf32>
      %mul3A_930 = arith.mulf %mul3A_929, %sub3A_928 : vector<16xf32>
      %mul3A_931 = arith.mulf %mul3A_930, %sub3A_928 : vector<16xf32>
      %gt3A_932 = arith.constant 0.000000e+00 : f32
      %gt3A_933 = vector.broadcast %gt3A_932 : f32 to vector<16xf32>
      %gt3A_934 = arith.cmpf ogt, %add3A_895, %gt3A_933 : vector<16xf32>
      %gt3A_935 = arith.constant 0.000000e+00 : f32
      %gt3A_936 = vector.broadcast %gt3A_935 : f32 to vector<16xf32>
      %gt3A_937 = arith.cmpf ogt, %sub3A_911, %gt3A_936 : vector<16xf32>
      %and3A_938 = arith.andi %gt3A_934, %gt3A_937 : vector<16xi1>
      %add3A_939 = arith.constant 64 : i32
      %add3A_940 = vector.broadcast %add3A_939 : i32 to vector<16xi32>
      %add3A_941 = arith.addi %iota3A, %add3A_940 : vector<16xi32>
      %lt3A_942 = arith.constant 100 : i32
      %lt3A_943 = vector.broadcast %lt3A_942 : i32 to vector<16xi32>
      %lt3A_944 = arith.cmpi slt, %add3A_941, %lt3A_943 : vector<16xi32>
      %and3A_945 = arith.andi %and3A_938, %lt3A_944 : vector<16xi1>
      %jit3A_946 = arith.constant 0xFF800000 : f32
      %broadcast_in_dim3A_947 = vector.broadcast %jit3A_946 : f32 to vector<16xf32>
      %select_n3A_948 = arith.select %and3A_945, %mul3A_931, %broadcast_in_dim3A_947 : vector<16xi1>, vector<16xf32>
      %reduce_max3A_949 = arith.constant true
      %reduce_max3A_950 = vector.broadcast %reduce_max3A_949 : i1 to vector<16xi1>
      %reduce_max3A_951 = tpu.scan <max>, %select_n3A_948 masked %reduce_max3A_950 : vector<16xf32>, vector<16xi1> -> vector<16xf32>
      %reduce_max3A_952 = vector.extract %reduce_max3A_951[15] : f32 from vector<16xf32>
      %eq3A_953 = vector.broadcast %reduce_max3A_952 : f32 to vector<16xf32>
      %eq3A_954 = arith.cmpf oeq, %select_n3A_948, %eq3A_953 : vector<16xf32>
      %jit3A_955 = arith.constant 16 : i32
      %broadcast_in_dim3A_956 = vector.broadcast %jit3A_955 : i32 to vector<16xi32>
      %select_n3A_957 = arith.select %eq3A_954, %iota3A, %broadcast_in_dim3A_956 : vector<16xi1>, vector<16xi32>
      %reduce_min3A_958 = arith.constant true
      %reduce_min3A_959 = vector.broadcast %reduce_min3A_958 : i1 to vector<16xi1>
      %reduce_min3A_960 = arith.constant -2147483648 : i32
      %reduce_min3A_961 = vector.broadcast %reduce_min3A_960 : i32 to vector<16xi32>
      %reduce_min3A_962 = arith.xori %select_n3A_957, %reduce_min3A_961 : vector<16xi32>
      %reduce_min3A_963 = tpu.scan <min>, %reduce_min3A_962 masked %reduce_min3A_959 : vector<16xi32>, vector<16xi1> -> vector<16xi32>
      %reduce_min3A_964 = arith.xori %reduce_min3A_963, %reduce_min3A_961 : vector<16xi32>
      %reduce_min3A_965 = vector.extract %reduce_min3A_964[15] : i32 from vector<16xi32>
      %gt3A_966 = arith.cmpf ogt, %reduce_max3A_952, %select_n3A_883 : f32
      %select_n3A_967 = arith.select %gt3A_966, %reduce_max3A_952, %select_n3A_883 : f32
      %add3A_968 = arith.constant 64 : i32
      %add3A_969 = arith.addi %reduce_min3A_965, %add3A_968 : i32
      %select_n3A_970 = arith.select %gt3A_966, %add3A_969, %select_n3A_886 : i32
      %get3A_971 = arith.constant 80 : index
      %get3A_972 = tpu.vector_load %arg5[%get3A_971] {strides = array<i32>} : memref<112xf32, #tpu.memory_space<vmem>>, vector<16xf32>,
      %get3A_973 = arith.constant 80 : index
      %get3A_974 = tpu.vector_load %arg6[%get3A_973] {strides = array<i32>} : memref<112xf32, #tpu.memory_space<vmem>>, vector<16xf32>,
      %broadcast_in_dim3A_975 = arith.constant true
      %broadcast_in_dim3A_976 = vector.broadcast %broadcast_in_dim3A_975 : i1 to vector<16xi1>
      %masked_cumsum3A_977 = tpu.scan <sum>, %get3A_972 masked %broadcast_in_dim3A_976 : vector<16xf32>, vector<16xi1> -> vector<16xf32>
      %add3A_978 = vector.broadcast %reduce_max3A_904 : f32 to vector<16xf32>
      %add3A_979 = arith.addf %masked_cumsum3A_977, %add3A_978 : vector<16xf32>
      %broadcast_in_dim3A_980 = arith.constant true
      %broadcast_in_dim3A_981 = vector.broadcast %broadcast_in_dim3A_980 : i1 to vector<16xi1>
      %masked_cumsum3A_982 = tpu.scan <sum>, %get3A_974 masked %broadcast_in_dim3A_981 : vector<16xf32>, vector<16xi1> -> vector<16xf32>
      %add3A_983 = vector.broadcast %reduce_max3A_908 : f32 to vector<16xf32>
      %add3A_984 = arith.addf %masked_cumsum3A_982, %add3A_983 : vector<16xf32>
      %reduce_max3A_985 = arith.constant true
      %reduce_max3A_986 = vector.broadcast %reduce_max3A_985 : i1 to vector<16xi1>
      %reduce_max3A_987 = tpu.scan <max>, %add3A_979 masked %reduce_max3A_986 : vector<16xf32>, vector<16xi1> -> vector<16xf32>
      %reduce_max3A_988 = vector.extract %reduce_max3A_987[15] : f32 from vector<16xf32>
      %reduce_max3A_989 = arith.constant true
      %reduce_max3A_990 = vector.broadcast %reduce_max3A_989 : i1 to vector<16xi1>
      %reduce_max3A_991 = tpu.scan <max>, %add3A_984 masked %reduce_max3A_990 : vector<16xf32>, vector<16xi1> -> vector<16xf32>
      %reduce_max3A_992 = vector.extract %reduce_max3A_991[15] : f32 from vector<16xf32>
      %sub3A_993 = arith.constant 2.560000e+02 : f32
      %sub3A_994 = vector.broadcast %sub3A_993 : f32 to vector<16xf32>
      %sub3A_995 = arith.subf %sub3A_994, %add3A_979 : vector<16xf32>
      %eq3A_996 = arith.constant 0.000000e+00 : f32
      %eq3A_997 = vector.broadcast %eq3A_996 : f32 to vector<16xf32>
      %eq3A_998 = arith.cmpf oeq, %add3A_979, %eq3A_997 : vector<16xf32>
      %jit3A_999 = arith.constant 1.000000e+00 : f32
      %broadcast_in_dim3A_1000 = vector.broadcast %jit3A_999 : f32 to vector<16xf32>
      %select_n3A_1001 = arith.select %eq3A_998, %broadcast_in_dim3A_1000, %add3A_979 : vector<16xi1>, vector<16xf32>
      %div3A_1002 = arith.divf %add3A_984, %select_n3A_1001 : vector<16xf32>
      %sub3A_1003 = vector.broadcast %add3A_299 : f32 to vector<16xf32>
      %sub3A_1004 = arith.subf %sub3A_1003, %add3A_984 : vector<16xf32>
      %eq3A_1005 = arith.constant 0.000000e+00 : f32
      %eq3A_1006 = vector.broadcast %eq3A_1005 : f32 to vector<16xf32>
      %eq3A_1007 = arith.cmpf oeq, %sub3A_995, %eq3A_1006 : vector<16xf32>
      %jit3A_1008 = arith.constant 1.000000e+00 : f32
      %broadcast_in_dim3A_1009 = vector.broadcast %jit3A_1008 : f32 to vector<16xf32>
      %select_n3A_1010 = arith.select %eq3A_1007, %broadcast_in_dim3A_1009, %sub3A_995 : vector<16xi1>, vector<16xf32>
      %div3A_1011 = arith.divf %sub3A_1004, %select_n3A_1010 : vector<16xf32>
      %sub3A_1012 = arith.subf %div3A_1002, %div3A_1011 : vector<16xf32>
      %mul3A_1013 = arith.mulf %add3A_979, %sub3A_995 : vector<16xf32>
      %mul3A_1014 = arith.mulf %mul3A_1013, %sub3A_1012 : vector<16xf32>
      %mul3A_1015 = arith.mulf %mul3A_1014, %sub3A_1012 : vector<16xf32>
      %gt3A_1016 = arith.constant 0.000000e+00 : f32
      %gt3A_1017 = vector.broadcast %gt3A_1016 : f32 to vector<16xf32>
      %gt3A_1018 = arith.cmpf ogt, %add3A_979, %gt3A_1017 : vector<16xf32>
      %gt3A_1019 = arith.constant 0.000000e+00 : f32
      %gt3A_1020 = vector.broadcast %gt3A_1019 : f32 to vector<16xf32>
      %gt3A_1021 = arith.cmpf ogt, %sub3A_995, %gt3A_1020 : vector<16xf32>
      %and3A_1022 = arith.andi %gt3A_1018, %gt3A_1021 : vector<16xi1>
      %add3A_1023 = arith.constant 80 : i32
      %add3A_1024 = vector.broadcast %add3A_1023 : i32 to vector<16xi32>
      %add3A_1025 = arith.addi %iota3A, %add3A_1024 : vector<16xi32>
      %lt3A_1026 = arith.constant 100 : i32
      %lt3A_1027 = vector.broadcast %lt3A_1026 : i32 to vector<16xi32>
      %lt3A_1028 = arith.cmpi slt, %add3A_1025, %lt3A_1027 : vector<16xi32>
      %and3A_1029 = arith.andi %and3A_1022, %lt3A_1028 : vector<16xi1>
      %jit3A_1030 = arith.constant 0xFF800000 : f32
      %broadcast_in_dim3A_1031 = vector.broadcast %jit3A_1030 : f32 to vector<16xf32>
      %select_n3A_1032 = arith.select %and3A_1029, %mul3A_1015, %broadcast_in_dim3A_1031 : vector<16xi1>, vector<16xf32>
      %reduce_max3A_1033 = arith.constant true
      %reduce_max3A_1034 = vector.broadcast %reduce_max3A_1033 : i1 to vector<16xi1>
      %reduce_max3A_1035 = tpu.scan <max>, %select_n3A_1032 masked %reduce_max3A_1034 : vector<16xf32>, vector<16xi1> -> vector<16xf32>
      %reduce_max3A_1036 = vector.extract %reduce_max3A_1035[15] : f32 from vector<16xf32>
      %eq3A_1037 = vector.broadcast %reduce_max3A_1036 : f32 to vector<16xf32>
      %eq3A_1038 = arith.cmpf oeq, %select_n3A_1032, %eq3A_1037 : vector<16xf32>
      %jit3A_1039 = arith.constant 16 : i32
      %broadcast_in_dim3A_1040 = vector.broadcast %jit3A_1039 : i32 to vector<16xi32>
      %select_n3A_1041 = arith.select %eq3A_1038, %iota3A, %broadcast_in_dim3A_1040 : vector<16xi1>, vector<16xi32>
      %reduce_min3A_1042 = arith.constant true
      %reduce_min3A_1043 = vector.broadcast %reduce_min3A_1042 : i1 to vector<16xi1>
      %reduce_min3A_1044 = arith.constant -2147483648 : i32
      %reduce_min3A_1045 = vector.broadcast %reduce_min3A_1044 : i32 to vector<16xi32>
      %reduce_min3A_1046 = arith.xori %select_n3A_1041, %reduce_min3A_1045 : vector<16xi32>
      %reduce_min3A_1047 = tpu.scan <min>, %reduce_min3A_1046 masked %reduce_min3A_1043 : vector<16xi32>, vector<16xi1> -> vector<16xi32>
      %reduce_min3A_1048 = arith.xori %reduce_min3A_1047, %reduce_min3A_1045 : vector<16xi32>
      %reduce_min3A_1049 = vector.extract %reduce_min3A_1048[15] : i32 from vector<16xi32>
      %gt3A_1050 = arith.cmpf ogt, %reduce_max3A_1036, %select_n3A_967 : f32
      %select_n3A_1051 = arith.select %gt3A_1050, %reduce_max3A_1036, %select_n3A_967 : f32
      %add3A_1052 = arith.constant 80 : i32
      %add3A_1053 = arith.addi %reduce_min3A_1049, %add3A_1052 : i32
      %select_n3A_1054 = arith.select %gt3A_1050, %add3A_1053, %select_n3A_970 : i32
      %get3A_1055 = arith.constant 96 : index
      %get3A_1056 = tpu.vector_load %arg5[%get3A_1055] {strides = array<i32>} : memref<112xf32, #tpu.memory_space<vmem>>, vector<16xf32>,
      %get3A_1057 = arith.constant 96 : index
      %get3A_1058 = tpu.vector_load %arg6[%get3A_1057] {strides = array<i32>} : memref<112xf32, #tpu.memory_space<vmem>>, vector<16xf32>,
      %broadcast_in_dim3A_1059 = arith.constant true
      %broadcast_in_dim3A_1060 = vector.broadcast %broadcast_in_dim3A_1059 : i1 to vector<16xi1>
      %masked_cumsum3A_1061 = tpu.scan <sum>, %get3A_1056 masked %broadcast_in_dim3A_1060 : vector<16xf32>, vector<16xi1> -> vector<16xf32>
      %add3A_1062 = vector.broadcast %reduce_max3A_988 : f32 to vector<16xf32>
      %add3A_1063 = arith.addf %masked_cumsum3A_1061, %add3A_1062 : vector<16xf32>
      %broadcast_in_dim3A_1064 = arith.constant true
      %broadcast_in_dim3A_1065 = vector.broadcast %broadcast_in_dim3A_1064 : i1 to vector<16xi1>
      %masked_cumsum3A_1066 = tpu.scan <sum>, %get3A_1058 masked %broadcast_in_dim3A_1065 : vector<16xf32>, vector<16xi1> -> vector<16xf32>
      %add3A_1067 = vector.broadcast %reduce_max3A_992 : f32 to vector<16xf32>
      %add3A_1068 = arith.addf %masked_cumsum3A_1066, %add3A_1067 : vector<16xf32>
      %reduce_max3A_1069 = arith.constant true
      %reduce_max3A_1070 = vector.broadcast %reduce_max3A_1069 : i1 to vector<16xi1>
      %reduce_max3A_1071 = tpu.scan <max>, %add3A_1063 masked %reduce_max3A_1070 : vector<16xf32>, vector<16xi1> -> vector<16xf32>
      %reduce_max3A_1072 = vector.extract %reduce_max3A_1071[15] : f32 from vector<16xf32>
      %reduce_max3A_1073 = arith.constant true
      %reduce_max3A_1074 = vector.broadcast %reduce_max3A_1073 : i1 to vector<16xi1>
      %reduce_max3A_1075 = tpu.scan <max>, %add3A_1068 masked %reduce_max3A_1074 : vector<16xf32>, vector<16xi1> -> vector<16xf32>
      %reduce_max3A_1076 = vector.extract %reduce_max3A_1075[15] : f32 from vector<16xf32>
      %sub3A_1077 = arith.constant 2.560000e+02 : f32
      %sub3A_1078 = vector.broadcast %sub3A_1077 : f32 to vector<16xf32>
      %sub3A_1079 = arith.subf %sub3A_1078, %add3A_1063 : vector<16xf32>
      %eq3A_1080 = arith.constant 0.000000e+00 : f32
      %eq3A_1081 = vector.broadcast %eq3A_1080 : f32 to vector<16xf32>
      %eq3A_1082 = arith.cmpf oeq, %add3A_1063, %eq3A_1081 : vector<16xf32>
      %jit3A_1083 = arith.constant 1.000000e+00 : f32
      %broadcast_in_dim3A_1084 = vector.broadcast %jit3A_1083 : f32 to vector<16xf32>
      %select_n3A_1085 = arith.select %eq3A_1082, %broadcast_in_dim3A_1084, %add3A_1063 : vector<16xi1>, vector<16xf32>
      %div3A_1086 = arith.divf %add3A_1068, %select_n3A_1085 : vector<16xf32>
      %sub3A_1087 = vector.broadcast %add3A_299 : f32 to vector<16xf32>
      %sub3A_1088 = arith.subf %sub3A_1087, %add3A_1068 : vector<16xf32>
      %eq3A_1089 = arith.constant 0.000000e+00 : f32
      %eq3A_1090 = vector.broadcast %eq3A_1089 : f32 to vector<16xf32>
      %eq3A_1091 = arith.cmpf oeq, %sub3A_1079, %eq3A_1090 : vector<16xf32>
      %jit3A_1092 = arith.constant 1.000000e+00 : f32
      %broadcast_in_dim3A_1093 = vector.broadcast %jit3A_1092 : f32 to vector<16xf32>
      %select_n3A_1094 = arith.select %eq3A_1091, %broadcast_in_dim3A_1093, %sub3A_1079 : vector<16xi1>, vector<16xf32>
      %div3A_1095 = arith.divf %sub3A_1088, %select_n3A_1094 : vector<16xf32>
      %sub3A_1096 = arith.subf %div3A_1086, %div3A_1095 : vector<16xf32>
      %mul3A_1097 = arith.mulf %add3A_1063, %sub3A_1079 : vector<16xf32>
      %mul3A_1098 = arith.mulf %mul3A_1097, %sub3A_1096 : vector<16xf32>
      %mul3A_1099 = arith.mulf %mul3A_1098, %sub3A_1096 : vector<16xf32>
      %gt3A_1100 = arith.constant 0.000000e+00 : f32
      %gt3A_1101 = vector.broadcast %gt3A_1100 : f32 to vector<16xf32>
      %gt3A_1102 = arith.cmpf ogt, %add3A_1063, %gt3A_1101 : vector<16xf32>
      %gt3A_1103 = arith.constant 0.000000e+00 : f32
      %gt3A_1104 = vector.broadcast %gt3A_1103 : f32 to vector<16xf32>
      %gt3A_1105 = arith.cmpf ogt, %sub3A_1079, %gt3A_1104 : vector<16xf32>
      %and3A_1106 = arith.andi %gt3A_1102, %gt3A_1105 : vector<16xi1>
      %add3A_1107 = arith.constant 96 : i32
      %add3A_1108 = vector.broadcast %add3A_1107 : i32 to vector<16xi32>
      %add3A_1109 = arith.addi %iota3A, %add3A_1108 : vector<16xi32>
      %lt3A_1110 = arith.constant 100 : i32
      %lt3A_1111 = vector.broadcast %lt3A_1110 : i32 to vector<16xi32>
      %lt3A_1112 = arith.cmpi slt, %add3A_1109, %lt3A_1111 : vector<16xi32>
      %and3A_1113 = arith.andi %and3A_1106, %lt3A_1112 : vector<16xi1>
      %jit3A_1114 = arith.constant 0xFF800000 : f32
      %broadcast_in_dim3A_1115 = vector.broadcast %jit3A_1114 : f32 to vector<16xf32>
      %select_n3A_1116 = arith.select %and3A_1113, %mul3A_1099, %broadcast_in_dim3A_1115 : vector<16xi1>, vector<16xf32>
      %reduce_max3A_1117 = arith.constant true
      %reduce_max3A_1118 = vector.broadcast %reduce_max3A_1117 : i1 to vector<16xi1>
      %reduce_max3A_1119 = tpu.scan <max>, %select_n3A_1116 masked %reduce_max3A_1118 : vector<16xf32>, vector<16xi1> -> vector<16xf32>
      %reduce_max3A_1120 = vector.extract %reduce_max3A_1119[15] : f32 from vector<16xf32>
      %eq3A_1121 = vector.broadcast %reduce_max3A_1120 : f32 to vector<16xf32>
      %eq3A_1122 = arith.cmpf oeq, %select_n3A_1116, %eq3A_1121 : vector<16xf32>
      %jit3A_1123 = arith.constant 16 : i32
      %broadcast_in_dim3A_1124 = vector.broadcast %jit3A_1123 : i32 to vector<16xi32>
      %select_n3A_1125 = arith.select %eq3A_1122, %iota3A, %broadcast_in_dim3A_1124 : vector<16xi1>, vector<16xi32>
      %reduce_min3A_1126 = arith.constant true
      %reduce_min3A_1127 = vector.broadcast %reduce_min3A_1126 : i1 to vector<16xi1>
      %reduce_min3A_1128 = arith.constant -2147483648 : i32
      %reduce_min3A_1129 = vector.broadcast %reduce_min3A_1128 : i32 to vector<16xi32>
      %reduce_min3A_1130 = arith.xori %select_n3A_1125, %reduce_min3A_1129 : vector<16xi32>
      %reduce_min3A_1131 = tpu.scan <min>, %reduce_min3A_1130 masked %reduce_min3A_1127 : vector<16xi32>, vector<16xi1> -> vector<16xi32>
      %reduce_min3A_1132 = arith.xori %reduce_min3A_1131, %reduce_min3A_1129 : vector<16xi32>
      %reduce_min3A_1133 = vector.extract %reduce_min3A_1132[15] : i32 from vector<16xi32>
      %gt3A_1134 = arith.cmpf ogt, %reduce_max3A_1120, %select_n3A_1051 : f32
      %select_n3A_1135 = arith.select %gt3A_1134, %reduce_max3A_1120, %select_n3A_1051 : f32
      %add3A_1136 = arith.constant 96 : i32
      %add3A_1137 = arith.addi %reduce_min3A_1133, %add3A_1136 : i32
      %select_n3A_1138 = arith.select %gt3A_1134, %add3A_1137, %select_n3A_1054 : i32
      %convert_element_type3A_1139 = arith.sitofp %select_n3A_1138 : i32 to f32
      %sub3A_1140 = arith.subf %max3A_289, %min3A_294 : f32
      %mul3A_1141 = arith.mulf %convert_element_type3A_1139, %sub3A_1140 : f32
      %broadcast_in_dim3A_1142 = vector.broadcast %mul3A_1141 : f32 to vector<16xf32>
      %broadcast_in_dim3A_1143 = arith.constant 1.000000e+02 : f32
      %broadcast_in_dim3A_1144 = vector.broadcast %broadcast_in_dim3A_1143 : f32 to vector<16xf32>
      %div3A_1145 = arith.divf %broadcast_in_dim3A_1142, %broadcast_in_dim3A_1144 : vector<16xf32>
      %reduce_max3A_1146 = arith.constant true
      %reduce_max3A_1147 = vector.broadcast %reduce_max3A_1146 : i1 to vector<16xi1>
      %reduce_max3A_1148 = tpu.scan <max>, %div3A_1145 masked %reduce_max3A_1147 : vector<16xf32>, vector<16xi1> -> vector<16xf32>
      %reduce_max3A_1149 = vector.extract %reduce_max3A_1148[15] : f32 from vector<16xf32>
      %gt3A_1150 = arith.constant -1.000000e+03 : f32
      %gt3A_1151 = arith.cmpf ogt, %select_n3A_1135, %gt3A_1150 : f32
      %jit3A_1152 = arith.constant 0.000000e+00 : f32
      %select_n3A_1153 = arith.select %gt3A_1151, %reduce_max3A_1149, %jit3A_1152 : f32
      %broadcast_in_dim3A_1154 = arith.constant 0.000000e+00 : f32
      %broadcast_in_dim3A_1155 = vector.broadcast %broadcast_in_dim3A_1154 : f32 to vector<16xf32>
      %add3A_1156 = vector.broadcast %select_n3A_1153 : f32 to vector<16xf32>
      %add3A_1157 = arith.addf %broadcast_in_dim3A_1155, %add3A_1156 : vector<16xf32>
      %swap3A_1158 = arith.constant 0 : index
      %swap3A_1159 = tpu.vector_load %arg7[%swap3A_1158] {strides = array<i32>} : memref<16xf32, #tpu.memory_space<vmem>>, vector<16xf32>,
      tpu.vector_store %arg7[%swap3A_1158], %add3A_1157 {strides = array<i32>} : memref<16xf32, #tpu.memory_space<vmem>>, vector<16xf32>,
      "tpu.region"() ({
        %run_scoped3A = tpu.sem_alloc : memref<!tpu.dma_semaphore, #tpu.memory_space<semaphore_mem>>
        tpu.enqueue_dma source(%arg7 : memref<16xf32, #tpu.memory_space<vmem>>) target(%arg3 : memref<16xf32, #tpu.memory_space<hbm>>) target_semaphore(%run_scoped3A : memref<!tpu.dma_semaphore, #tpu.memory_space<semaphore_mem>>)
        tpu.wait_dma2 semaphore(%run_scoped3A : memref<!tpu.dma_semaphore, #tpu.memory_space<semaphore_mem>>) src(%arg7 : memref<16xf32, #tpu.memory_space<vmem>>) dst(%arg3 : memref<16xf32, #tpu.memory_space<hbm>>)
        tpu.yield
      }) : () -> ()
    } else {
    }
    return
  }
}

module attributes {stable_mosaic.version = 14 : i64} {
  func.func @_tc_body(%arg0: memref<256x6xf32, #tpu.memory_space<vmem>>, %arg1: memref<1x1xf32, #tpu.memory_space<vmem>>, %arg2: memref<1x1xf32, #tpu.memory_space<vmem>>, %arg3: memref<256x256xf32, #tpu.memory_space<vmem>>, %arg4: memref<256x1xf32, #tpu.memory_space<vmem>>, %arg5: memref<1x1xf32, #tpu.memory_space<vmem>>) attributes {dimension_semantics = [], scalar_prefetch = 0 : i64, scratch_operands = 0 : i64, tpu.core_type = #tpu.core_type<tc>} {
    %get3A = arith.constant 0 : index
    %get3A_0 = arith.constant 0 : index
    %get3A_1 = vector.load %arg0[%get3A, %get3A_0] : memref<256x6xf32, #tpu.memory_space<vmem>>, vector<256x6xf32>
    %slice3A = vector.extract_strided_slice %get3A_1 {offsets = [0, 0], sizes = [256, 3], strides = [1, 1]} : vector<256x6xf32> to vector<256x3xf32>
    %slice3A_2 = vector.extract_strided_slice %get3A_1 {offsets = [0, 3], sizes = [256, 3], strides = [1, 1]} : vector<256x6xf32> to vector<256x3xf32>
    %iota3A = tpu.iota {dimensions = array<i32: 0>} : vector<256x256xi32>
    %iota3A_3 = tpu.iota {dimensions = array<i32: 1>} : vector<256x256xi32>
    %eq3A = arith.cmpi eq, %iota3A, %iota3A_3 : vector<256x256xi32>
    %convert_element_type3A = arith.extui %eq3A : vector<256x256xi1> to vector<256x256xi32>
    %convert_element_type3A_4 = arith.sitofp %convert_element_type3A : vector<256x256xi32> to vector<256x256xf32>
    %convert_element_type3A_5 = arith.truncf %slice3A : vector<256x3xf32> to vector<256x3xbf16>
    %dot_general3A = arith.constant dense<0.000000e+00> : vector<256x256xf32>
    %dot_general3A_6 = tpu.matmul %convert_element_type3A_5, %convert_element_type3A_5, %dot_general3A {dimension_numbers = #tpu.dot_dimension_numbers<[1], [1], [0], [0], [0, 0, 1, 0], [], []>, transpose_lhs_hint = false} : vector<256x3xbf16>, vector<256x3xbf16>, vector<256x256xf32> -> vector<256x256xf32>
    %mul3A = arith.mulf %slice3A, %slice3A : vector<256x3xf32>
    %reduce_sum3A = arith.constant dense<0.000000e+00> : vector<256xf32>
    %reduce_sum3A_7 = vector.multi_reduction <add>, %mul3A, %reduce_sum3A [1] : vector<256x3xf32> to vector<256xf32>
    %broadcast_in_dim3A = vector.shape_cast %reduce_sum3A_7 : vector<256xf32> to vector<256x1xf32>
    %mul3A_8 = vector.broadcast %broadcast_in_dim3A : vector<256x1xf32> to vector<256x256xf32>
    %mul3A_9 = arith.mulf %convert_element_type3A_4, %mul3A_8 : vector<256x256xf32>
    %reduce_sum3A_10 = arith.constant dense<0.000000e+00> : vector<256xf32>
    %reduce_sum3A_11 = vector.multi_reduction <add>, %mul3A_9, %reduce_sum3A_10 [0] : vector<256x256xf32> to vector<256xf32>
    %broadcast_in_dim3A_12 = vector.shape_cast %reduce_sum3A_11 : vector<256xf32> to vector<1x256xf32>
    %add3A = vector.broadcast %broadcast_in_dim3A : vector<256x1xf32> to vector<256x256xf32>
    %add3A_13 = vector.broadcast %broadcast_in_dim3A_12 : vector<1x256xf32> to vector<256x256xf32>
    %add3A_14 = arith.addf %add3A, %add3A_13 : vector<256x256xf32>
    %mul3A_15 = arith.constant 2.000000e+00 : f32
    %mul3A_16 = vector.broadcast %mul3A_15 : f32 to vector<256x256xf32>
    %mul3A_17 = arith.mulf %mul3A_16, %dot_general3A_6 : vector<256x256xf32>
    %sub3A = arith.subf %add3A_14, %mul3A_17 : vector<256x256xf32>
    %max3A = arith.constant 0.000000e+00 : f32
    %max3A_18 = vector.broadcast %max3A : f32 to vector<256x256xf32>
    %max3A_19 = arith.maximumf %sub3A, %max3A_18 : vector<256x256xf32>
    %add3A_20 = arith.constant 9.99999996E-13 : f32
    %add3A_21 = vector.broadcast %add3A_20 : f32 to vector<256x256xf32>
    %add3A_22 = arith.addf %max3A_19, %add3A_21 : vector<256x256xf32>
    %sqrt3A = math.sqrt %add3A_22 : vector<256x256xf32>
    %convert_element_type3A_23 = arith.truncf %slice3A_2 : vector<256x3xf32> to vector<256x3xbf16>
    %dot_general3A_24 = arith.constant dense<0.000000e+00> : vector<256x256xf32>
    %dot_general3A_25 = tpu.matmul %convert_element_type3A_23, %convert_element_type3A_23, %dot_general3A_24 {dimension_numbers = #tpu.dot_dimension_numbers<[1], [1], [0], [0], [0, 0, 1, 0], [], []>, transpose_lhs_hint = false} : vector<256x3xbf16>, vector<256x3xbf16>, vector<256x256xf32> -> vector<256x256xf32>
    %mul3A_26 = arith.mulf %slice3A_2, %slice3A_2 : vector<256x3xf32>
    %reduce_sum3A_27 = arith.constant dense<0.000000e+00> : vector<256xf32>
    %reduce_sum3A_28 = vector.multi_reduction <add>, %mul3A_26, %reduce_sum3A_27 [1] : vector<256x3xf32> to vector<256xf32>
    %broadcast_in_dim3A_29 = vector.shape_cast %reduce_sum3A_28 : vector<256xf32> to vector<256x1xf32>
    %mul3A_30 = vector.broadcast %broadcast_in_dim3A_29 : vector<256x1xf32> to vector<256x256xf32>
    %mul3A_31 = arith.mulf %convert_element_type3A_4, %mul3A_30 : vector<256x256xf32>
    %reduce_sum3A_32 = arith.constant dense<0.000000e+00> : vector<256xf32>
    %reduce_sum3A_33 = vector.multi_reduction <add>, %mul3A_31, %reduce_sum3A_32 [0] : vector<256x256xf32> to vector<256xf32>
    %broadcast_in_dim3A_34 = vector.shape_cast %reduce_sum3A_33 : vector<256xf32> to vector<1x256xf32>
    %add3A_35 = vector.broadcast %broadcast_in_dim3A_29 : vector<256x1xf32> to vector<256x256xf32>
    %add3A_36 = vector.broadcast %broadcast_in_dim3A_34 : vector<1x256xf32> to vector<256x256xf32>
    %add3A_37 = arith.addf %add3A_35, %add3A_36 : vector<256x256xf32>
    %mul3A_38 = arith.constant 2.000000e+00 : f32
    %mul3A_39 = vector.broadcast %mul3A_38 : f32 to vector<256x256xf32>
    %mul3A_40 = arith.mulf %mul3A_39, %dot_general3A_25 : vector<256x256xf32>
    %sub3A_41 = arith.subf %add3A_37, %mul3A_40 : vector<256x256xf32>
    %max3A_42 = arith.constant 0.000000e+00 : f32
    %max3A_43 = vector.broadcast %max3A_42 : f32 to vector<256x256xf32>
    %max3A_44 = arith.maximumf %sub3A_41, %max3A_43 : vector<256x256xf32>
    %add3A_45 = arith.constant 9.99999996E-13 : f32
    %add3A_46 = vector.broadcast %add3A_45 : f32 to vector<256x256xf32>
    %add3A_47 = arith.addf %max3A_44, %add3A_46 : vector<256x256xf32>
    %sqrt3A_48 = math.sqrt %add3A_47 : vector<256x256xf32>
    %sub3A_49 = arith.subf %sqrt3A, %sqrt3A_48 : vector<256x256xf32>
    %abs3A = math.absf %sub3A_49 : vector<256x256xf32>
    %get3A_50 = arith.constant 0 : index
    %get3A_51 = arith.constant 0 : index
    %get3A_52 = vector.load %arg1[%get3A_50, %get3A_51] : memref<1x1xf32, #tpu.memory_space<vmem>>, vector<1x1xf32>
    %get3A_53 = vector.extract %get3A_52[0, 0] : f32 from vector<1x1xf32>
    %get3A_54 = arith.constant 0 : index
    %get3A_55 = arith.constant 0 : index
    %get3A_56 = vector.load %arg2[%get3A_54, %get3A_55] : memref<1x1xf32, #tpu.memory_space<vmem>>, vector<1x1xf32>
    %get3A_57 = vector.extract %get3A_56[0, 0] : f32 from vector<1x1xf32>
    %mul3A_58 = arith.mulf %abs3A, %abs3A : vector<256x256xf32>
    %neg3A = arith.constant 0.000000e+00 : f32
    %neg3A_59 = vector.broadcast %neg3A : f32 to vector<256x256xf32>
    %neg3A_60 = arith.subf %neg3A_59, %mul3A_58 : vector<256x256xf32>
    %mul3A_61 = arith.constant 2.000000e+00 : f32
    %mul3A_62 = arith.mulf %mul3A_61, %get3A_53 : f32
    %mul3A_63 = arith.mulf %mul3A_62, %get3A_53 : f32
    %div3A = vector.broadcast %mul3A_63 : f32 to vector<256x256xf32>
    %div3A_64 = arith.divf %neg3A_60, %div3A : vector<256x256xf32>
    %exp3A = math.exp %div3A_64 : vector<256x256xf32>
    %lt3A = vector.broadcast %get3A_57 : f32 to vector<256x256xf32>
    %lt3A_65 = arith.cmpf olt, %exp3A, %lt3A : vector<256x256xf32>
    %jit3A = arith.constant 0.000000e+00 : f32
    %broadcast_in_dim3A_66 = vector.broadcast %jit3A : f32 to vector<256x256xf32>
    %select_n3A = arith.select %lt3A_65, %broadcast_in_dim3A_66, %exp3A : vector<256x256xi1>, vector<256x256xf32>
    %convert_element_type3A_67 = arith.truncf %select_n3A : vector<256x256xf32> to vector<256x256xbf16>
    %dot_general3A_68 = arith.constant dense<0.000000e+00> : vector<256x256xf32>
    %dot_general3A_69 = tpu.matmul %convert_element_type3A_67, %convert_element_type3A_67, %dot_general3A_68 {dimension_numbers = #tpu.dot_dimension_numbers<[1], [0], [0], [1], [0, 0, 1, 1], [], []>, transpose_lhs_hint = false} : vector<256x256xbf16>, vector<256x256xbf16>, vector<256x256xf32> -> vector<256x256xf32>
    %mul3A_70 = arith.mulf %select_n3A, %dot_general3A_69 : vector<256x256xf32>
    %swap3A = arith.constant 0 : index
    %swap3A_71 = arith.constant 0 : index
    %swap3A_72 = vector.load %arg3[%swap3A, %swap3A_71] : memref<256x256xf32, #tpu.memory_space<vmem>>, vector<256x256xf32>
    tpu.vector_store %arg3[%swap3A, %swap3A_71], %mul3A_70 {strides = array<i32>} : memref<256x256xf32, #tpu.memory_space<vmem>>, vector<256x256xf32>,
    %sub3A_73 = arith.constant 1.000000e+00 : f32
    %sub3A_74 = vector.broadcast %sub3A_73 : f32 to vector<256x256xf32>
    %sub3A_75 = arith.subf %sub3A_74, %convert_element_type3A_4 : vector<256x256xf32>
    %mul3A_76 = arith.mulf %mul3A_70, %sub3A_75 : vector<256x256xf32>
    %ne3A = arith.constant 0.000000e+00 : f32
    %ne3A_77 = vector.broadcast %ne3A : f32 to vector<256x256xf32>
    %ne3A_78 = arith.cmpf one, %mul3A_76, %ne3A_77 : vector<256x256xf32>
    %convert_element_type3A_79 = arith.extui %ne3A_78 : vector<256x256xi1> to vector<256x256xi32>
    %convert_element_type3A_80 = arith.sitofp %convert_element_type3A_79 : vector<256x256xi32> to vector<256x256xf32>
    %reduce_sum3A_81 = arith.constant dense<0.000000e+00> : vector<256xf32>
    %reduce_sum3A_82 = vector.multi_reduction <add>, %convert_element_type3A_80, %reduce_sum3A_81 [1] : vector<256x256xf32> to vector<256xf32>
    %broadcast_in_dim3A_83 = vector.shape_cast %reduce_sum3A_82 : vector<256xf32> to vector<256x1xf32>
    %div3A_84 = arith.constant 1.000000e+00 : f32
    %div3A_85 = arith.constant 3.000000e+00 : f32
    %div3A_86 = arith.divf %div3A_84, %div3A_85 : f32
    %gt3A = arith.constant 0.000000e+00 : f32
    %gt3A_87 = vector.broadcast %gt3A : f32 to vector<256x256xf32>
    %gt3A_88 = arith.cmpf ogt, %mul3A_76, %gt3A_87 : vector<256x256xf32>
    %gt3A_89 = arith.constant 0.000000e+00 : f32
    %gt3A_90 = vector.broadcast %gt3A_89 : f32 to vector<256x256xf32>
    %gt3A_91 = arith.cmpf ogt, %mul3A_76, %gt3A_90 : vector<256x256xf32>
    %jit3A_92 = arith.constant 1.000000e+00 : f32
    %broadcast_in_dim3A_93 = vector.broadcast %jit3A_92 : f32 to vector<256x256xf32>
    %select_n3A_94 = arith.select %gt3A_91, %mul3A_76, %broadcast_in_dim3A_93 : vector<256x256xi1>, vector<256x256xf32>
    %log3A = math.log %select_n3A_94 : vector<256x256xf32>
    %mul3A_95 = vector.broadcast %div3A_86 : f32 to vector<256x256xf32>
    %mul3A_96 = arith.mulf %log3A, %mul3A_95 : vector<256x256xf32>
    %exp3A_97 = math.exp %mul3A_96 : vector<256x256xf32>
    %jit3A_98 = arith.constant 0.000000e+00 : f32
    %broadcast_in_dim3A_99 = vector.broadcast %jit3A_98 : f32 to vector<256x256xf32>
    %select_n3A_100 = arith.select %gt3A_88, %exp3A_97, %broadcast_in_dim3A_99 : vector<256x256xi1>, vector<256x256xf32>
    %dot_general3A_101 = arith.constant dense<0.000000e+00> : vector<256x256xf32>
    %dot_general3A_102 = tpu.matmul %select_n3A_100, %select_n3A_100, %dot_general3A_101 {dimension_numbers = #tpu.dot_dimension_numbers<[1], [0], [0], [1], [0, 0, 1, 1], [], []>, precision = #tpu.contract_precision<fp32>, transpose_lhs_hint = false} : vector<256x256xf32>, vector<256x256xf32>, vector<256x256xf32> -> vector<256x256xf32>
    %mul3A_103 = arith.mulf %dot_general3A_102, %select_n3A_100 : vector<256x256xf32>
    %reduce_sum3A_104 = arith.constant dense<0.000000e+00> : vector<256xf32>
    %reduce_sum3A_105 = vector.multi_reduction <add>, %mul3A_103, %reduce_sum3A_104 [1] : vector<256x256xf32> to vector<256xf32>
    %broadcast_in_dim3A_106 = vector.shape_cast %reduce_sum3A_105 : vector<256xf32> to vector<256x1xf32>
    %mul3A_107 = arith.constant 5.000000e-01 : f32
    %mul3A_108 = vector.broadcast %mul3A_107 : f32 to vector<256x1xf32>
    %mul3A_109 = arith.mulf %mul3A_108, %broadcast_in_dim3A_106 : vector<256x1xf32>
    %le3A = arith.constant 1.000000e+00 : f32
    %le3A_110 = vector.broadcast %le3A : f32 to vector<256x1xf32>
    %le3A_111 = arith.cmpf ole, %broadcast_in_dim3A_83, %le3A_110 : vector<256x1xf32>
    %jit3A_112 = arith.constant 0.000000e+00 : f32
    %broadcast_in_dim3A_113 = vector.broadcast %jit3A_112 : f32 to vector<256x1xf32>
    %select_n3A_114 = arith.select %le3A_111, %broadcast_in_dim3A_113, %broadcast_in_dim3A_83 : vector<256x1xi1>, vector<256x1xf32>
    %jit3A_115 = arith.constant 0.000000e+00 : f32
    %broadcast_in_dim3A_116 = vector.broadcast %jit3A_115 : f32 to vector<256x1xf32>
    %select_n3A_117 = arith.select %le3A_111, %broadcast_in_dim3A_116, %mul3A_109 : vector<256x1xi1>, vector<256x1xf32>
    %sub3A_118 = arith.constant 1.000000e+00 : f32
    %sub3A_119 = vector.broadcast %sub3A_118 : f32 to vector<256x1xf32>
    %sub3A_120 = arith.subf %select_n3A_114, %sub3A_119 : vector<256x1xf32>
    %mul3A_121 = arith.mulf %select_n3A_114, %sub3A_120 : vector<256x1xf32>
    %mul3A_122 = arith.constant 5.000000e-01 : f32
    %mul3A_123 = vector.broadcast %mul3A_122 : f32 to vector<256x1xf32>
    %mul3A_124 = arith.mulf %mul3A_121, %mul3A_123 : vector<256x1xf32>
    %reduce_sum3A_125 = vector.shape_cast %select_n3A_117 : vector<256x1xf32> to vector<1x256x1xf32>
    %reduce_sum3A_126 = arith.constant dense<0.000000e+00> : vector<1xf32>
    %reduce_sum3A_127 = vector.multi_reduction <add>, %reduce_sum3A_125, %reduce_sum3A_126 [1, 2] : vector<1x256x1xf32> to vector<1xf32>
    %reduce_sum3A_128 = vector.shape_cast %reduce_sum3A_127 : vector<1xf32> to vector<1x1x1xf32>
    %reduce_sum3A_129 = vector.extract %reduce_sum3A_128[0, 0, 0] : f32 from vector<1x1x1xf32>
    %reduce_sum3A_130 = vector.shape_cast %mul3A_124 : vector<256x1xf32> to vector<1x256x1xf32>
    %reduce_sum3A_131 = arith.constant dense<0.000000e+00> : vector<1xf32>
    %reduce_sum3A_132 = vector.multi_reduction <add>, %reduce_sum3A_130, %reduce_sum3A_131 [1, 2] : vector<1x256x1xf32> to vector<1xf32>
    %reduce_sum3A_133 = vector.shape_cast %reduce_sum3A_132 : vector<1xf32> to vector<1x1x1xf32>
    %reduce_sum3A_134 = vector.extract %reduce_sum3A_133[0, 0, 0] : f32 from vector<1x1x1xf32>
    %add3A_135 = arith.constant 1.000000e-10 : f32
    %add3A_136 = arith.addf %reduce_sum3A_134, %add3A_135 : f32
    %jit3A_137 = arith.constant 1.000000e+00 : f32
    %broadcast_in_dim3A_138 = vector.broadcast %jit3A_137 : f32 to vector<256x1xf32>
    %select_n3A_139 = arith.select %le3A_111, %broadcast_in_dim3A_138, %mul3A_124 : vector<256x1xi1>, vector<256x1xf32>
    %div3A_140 = arith.divf %select_n3A_117, %select_n3A_139 : vector<256x1xf32>
    %swap3A_141 = arith.constant 0 : index
    %swap3A_142 = arith.constant 0 : index
    %swap3A_143 = vector.load %arg4[%swap3A_141, %swap3A_142] : memref<256x1xf32, #tpu.memory_space<vmem>>, vector<256x1xf32>
    tpu.vector_store %arg4[%swap3A_141, %swap3A_142], %div3A_140 {strides = array<i32>} : memref<256x1xf32, #tpu.memory_space<vmem>>, vector<256x1xf32>,
    %div3A_144 = arith.divf %reduce_sum3A_129, %add3A_136 : f32
    %reshape3A = vector.broadcast %div3A_144 : f32 to vector<1x1xf32>
    %swap3A_145 = arith.constant 0 : index
    %swap3A_146 = arith.constant 0 : index
    %swap3A_147 = vector.load %arg5[%swap3A_145, %swap3A_146] : memref<1x1xf32, #tpu.memory_space<vmem>>, vector<1x1xf32>
    tpu.vector_store %arg5[%swap3A_145, %swap3A_146], %reshape3A {strides = array<i32>} : memref<1x1xf32, #tpu.memory_space<vmem>>, vector<1x1xf32>,
    return
  }
}

</mosaic_0001>

<sc_bundles>
// kernel: kernel.4.cloned.1.call-start
scs
__scs_entry_jumppad:
0x0: {  	(pc) =	sbr.rel $0x88, $3  }
0x1: {  	(tag) =	ssettag $0x0;
	lr =	simm.s32 $0x1  }
0x2: {  	[smem:$0x3F9E] =	sst lr;
	_ =	strace $0xD0000000  }
0x3: {  	_ = 	snop  }
0x4: {  	_ = 	snop  }
0x5: {  	_ = 	snop  }
0x6: {  	_ = 	snop  }
0x7: {  	_ = 	snop  }
__scs_overlays_trampoline_lowered:
0x8: {  	[smem:$0x3FAD] =	sst s0  }
0x9: {  	[smem:$0x3FAE] =	sst s1  }
0xa: {  	[smem:$0x3FAF] =	sst s2  }
0xb: {  	[smem:$0x3FB0] =	sst s3  }
0xc: {  	[smem:$0x3FB1] =	sst s4  }
0xd: {  	[smem:$0x3FB2] =	sst s5  }
0xe: {  	[smem:$0x3FB3] =	sst s6  }
0xf: {  	[smem:$0x3FB4] =	sst s7  }
0x10: {  	[smem:$0x3FB5] =	sst s8  }
0x11: {  	[smem:$0x3FB6] =	sst s9;
	s0 =	simm.s32 @!p0 $0x0  }
0x12: {  	s1 =	sld [smem:$0x3F9C];
	s0 =	simm.s32 @p0 $0x1  }
0x13: {  	[smem:$0x3FB7] =	sst s0;
	s0 =	simm.s32 @!p1 $0x0  }
0x14: {  	s2 =	sld [smem:$0x3F9B];
	s0 =	simm.s32 @p1 $0x1  }
0x15: {  	[smem:$0x3FB8] =	sst s0;
	s0 =	simm.s32 @!p2 $0x0  }
0x16: {  	s3 =	sld [smem:$0x3FDB];
	s0 =	simm.s32 @p2 $0x1  }
0x17: {  	s4 =	simm.s32 $0x1BF5;
	[smem:$0x3FBA] =	sst s0  }
0x18: {  	s0 =	sld [smem:$0x3F9D];
	_ =	swait.ge [sflag:s4], $0x0  }
0x19: {  	s7 =	sld [smem:$0x3F9E]  }
0x1a: {  	s8 =	sadd.s32 $0xFFFFE003, lr  }
0x1b: {  	s9 =	sadd.s32 $0xFFFFFEF7, lr;
	s5 =	simm.s32 $0xFFFFFFFF;
	p2 =	slt.u32 s8, $0xFFFFF086  }
0x1c: {  	p1 =	slt.u32 s9, $0xF7A;
	s5 =	simm.s32 @!p2 $0x0  }
0x1d: {  	s5 =	simm.s32 @p1 $0x1;
	p0 =	seq.s32 s7, s2  }
0x1e: {  	s7 =	smul.u32 @!p0 $0xF7A, s2;
	p2 =	seq.s32 @!p0 s5, $0x0  }
0x1f: {  	s9 =	smul.u32 $0xF7A, s1;
	s8 =	simm.s32 @!p0 $0x1BF5;
	p2 =	por !p2, p0  }
0x20: {  	[sflag:s8] =	ssyncset.s32 @!p0 $0xFFFFF086;
	s6 =	sadd.s32 @!p0 s3, s7;
	s7 =	simm.s32 @!p0 $0x108  }
0x21: {  	s3 =	sadd.s32 s3, s9;
	s6 =	sadd.s32 @!p0 $0x88, s6;
	s7 =	simm.s32 @p2 $0x1082  }
0x22: {  	[simem:s7], [sflag:s8] =	dma.local @!p0 [hbm:s6], $0xF7A  }
0x23: {  	s9 =	sor.u32 $0xD0000000, s2;
	s6 =	simm.s32 $0x108;
	_ =	swait.ge @!p0 [sflag:s8], $0x0  }
0x24: {  	s3 =	sadd.s32 $0x88, s3;
	s6 =	simm.s32 @!p1 $0x1082;
	[sflag:s4] =	ssyncset.s32 $0xFFFFF086  }
0x25: {  	[simem:s6], [sflag:s4] =	dma.local [hbm:s3], $0xF7A  }
0x26: {  	[smem:$0x3F9E] =	sst s1;
	(tag) =	ssettag s2;
	_ =	strace s9  }
0x27: {  	s1 =	sld [smem:$0x3FAE]  }
0x28: {  	s2 =	sld [smem:$0x3FAF]  }
0x29: {  	s4 =	sld [smem:$0x3FB1]  }
0x2a: {  	p0 =	seq.s32 s5, $0x0;
	s5 =	sld [smem:$0x3FB2]  }
0x2b: {  	s6 =	sld [smem:$0x3FB3]  }
0x2c: {  	s7 =	sld [smem:$0x3FB4]  }
0x2d: {  	s3 =	simm.s32 $0x108;
	s8 =	sld [smem:$0x3FB5]  }
0x2e: {  	s3 =	simm.s32 @!p0 $0x1082;
	s9 =	sld [smem:$0x3FB6]  }
0x2f: {  	lr =	sadd.s32 s0, s3;
	s0 =	sld [smem:$0x3FAD]  }
0x30: {  	s3 =	sld [smem:$0x3FB0]  }
0x31: {  	[smem:$0x3FB9] =	sst s10  }
0x32: {  	s10 =	sld [smem:$0x3FB7];
	_ =	sdelay $0x3  }
0x33: {  	p0 =	seq.s32 s10, $0x1;
	s10 =	sld [smem:$0x3FB9];
	_ =	sdelay $0x3  }
0x34: {  	[smem:$0x3FB9] =	sst s10  }
0x35: {  	s10 =	sld [smem:$0x3FB8];
	_ =	sdelay $0x3  }
0x36: {  	p1 =	seq.s32 s10, $0x1;
	s10 =	sld [smem:$0x3FB9];
	_ =	sdelay $0x3  }
0x37: {  	[smem:$0x3FB9] =	sst s10  }
0x38: {  	s10 =	sld [smem:$0x3FBA]  }
0x39: {  	_ = 	snop;
	(pc) =	sbr.ind lr, $3  }
0x3a: {  	_ = 	snop  }
0x3b: {  	_ = 	snop  }
0x3c: {  	p2 =	seq.s32 s10, $0x1;
	s10 =	sld [smem:$0x3FB9]  }
0x3d: {  	_ =	shalt  }
0x3e: {  	_ =	shalt  }
0x3f: {  	_ =	shalt  }
0x40: {  	_ =	shalt  }
0x41: {  	_ =	shalt  }
0x42: {  	_ =	shalt  }
0x43: {  	_ =	shalt  }
0x44: {  	_ =	shalt  }
0x45: {  	_ =	shalt  }
0x46: {  	_ =	shalt  }
0x47: {  	_ =	shalt  }
0x48: {  	_ =	shalt  }
0x49: {  	_ =	shalt  }
0x4a: {  	_ =	shalt  }
0x4b: {  	_ =	shalt  }
0x4c: {  	_ =	shalt  }
0x4d: {  	_ =	shalt  }
0x4e: {  	_ =	shalt  }
0x4f: {  	_ =	shalt  }
0x50: {  	_ =	shalt  }
0x51: {  	_ =	shalt  }
0x52: {  	_ =	shalt  }
0x53: {  	_ =	shalt  }
0x54: {  	_ =	shalt  }
0x55: {  	_ =	shalt  }
0x56: {  	_ =	shalt  }
0x57: {  	_ =	shalt  }
0x58: {  	_ =	shalt  }
0x59: {  	_ =	shalt  }
0x5a: {  	_ =	shalt  }
0x5b: {  	_ =	shalt  }
0x5c: {  	_ =	shalt  }
0x5d: {  	_ =	shalt  }
0x5e: {  	_ =	shalt  }
0x5f: {  	_ =	shalt  }
0x60: {  	_ =	shalt  }
0x61: {  	_ =	shalt  }
0x62: {  	_ =	shalt  }
0x63: {  	_ =	shalt  }
0x64: {  	_ =	shalt  }
0x65: {  	_ =	shalt  }
0x66: {  	_ =	shalt  }
0x67: {  	_ =	shalt  }
0x68: {  	_ =	shalt  }
0x69: {  	_ =	shalt  }
0x6a: {  	_ =	shalt  }
0x6b: {  	_ =	shalt  }
0x6c: {  	_ =	shalt  }
0x6d: {  	_ =	shalt  }
0x6e: {  	_ =	shalt  }
0x6f: {  	_ =	shalt  }
0x70: {  	_ =	shalt  }
0x71: {  	_ =	shalt  }
0x72: {  	_ =	shalt  }
0x73: {  	_ =	shalt  }
0x74: {  	_ =	shalt  }
0x75: {  	_ =	shalt  }
0x76: {  	_ =	shalt  }
0x77: {  	_ =	shalt  }
0x78: {  	_ =	shalt  }
0x79: {  	_ =	shalt  }
0x7a: {  	_ =	shalt  }
0x7b: {  	_ =	shalt  }
0x7c: {  	_ =	shalt  }
0x7d: {  	_ =	shalt  }
0x7e: {  	_ =	shalt  }
0x7f: {  	_ =	shalt  }
0x80: {  	_ =	shalt  }
0x81: {  	_ =	shalt  }
0x82: {  	_ =	shalt  }
0x83: {  	_ =	shalt  }
0x84: {  	_ =	shalt  }
0x85: {  	_ =	shalt  }
0x86: {  	_ =	shalt  }
0x87: {  	_ =	shalt  }
.Lfunc_end0:
.L_simem_size_0:
called_computation_lowered:
.L_overlay_start_0:
0x88: {  	s0 =	sld [smem:$0x3FD9]  }
0x89: {  	s1 =	sld [smem:$0x3FFE];
	_ =	sdelay $0x3  }
0x8a: {  	s0 =	sadd.s32 s1, s0  }
0x8b: {  	[smem:$0x3FC5] =	sst s0  }
0x8c: {  	_ = 	snop  }
0x8d: {  	s0 =	sld [smem:$0x3FD0];
	_ =	sdelay $0x2  }
0x8e: {  	s14 =	simm.s32 $0xA;
	s2 =	simm.s32 $0x10  }
0x8f: {  	[smem:s2], [sflag:s14] =	dma.local [hbm:s0], $0x1  }
0x90: {  	_ =	swait.eq [sflag:s14], $0x1  }
0x91: {  	[sflag:s14] =	ssyncset.done $0x0  }
0x92: {  	s15 =	sld [smem:$0x11];
	[sflag:s14] =	ssyncadd.s32 $0xFFFFFFFF  }
0x93: {  	s16 =	sld [smem:$0x13];
	(tm) =	ssettm $0x1  }
0x94: {  	s17 =	sld [smem:$0x3FFB];
	_ =	sdelay $0x3  }
0x95: {  	_ =	strace s17  }
0x96: {  	s2 =	sld [smem:$0x3FFC];
	_ =	sdelay $0x3  }
0x97: {  	_ =	strace s2  }
0x98: {  	s2 =	sld [smem:$0x3FFD];
	_ =	sdelay $0x3  }
0x99: {  	_ =	strace s2  }
0x9a: {  	_ =	strace $0x8FFFFFFF  }
0x9b: {  	s18 =	sld [smem:$0x3FDB];
	_ =	sdelay $0x1  }
0x9c: {  	s3 =	simm.s32 $_scs_section_size  }
0x9d: {  	s4 =	simm.s32 $_size__tile_overlayer_lowered;
	s5 =	simm.s32 $_tile_overlayer_lowered  }
0x9e: {  	s21 =	simm.s32 $0x1BFF;
	s20 =	sshll.u32 s5, $0x1;
	s2 =	sadd.s32 s3, s18  }
0x9f: {  	s6 =	simm.s32 $0x0;
	s19 =	sshll.u32 s4, $0x1;
	s4 =	sadd.s32 s20, s2  }
0xa0: {  	[timem:s6], [sflag:s21] =	dma.local [hbm:s4], s19  }
0xa1: {  	_ =	swait.ge [sflag:s21], s19  }
0xa2: {  	s3 =	ssub.s32 $0x0, s19;
	[sflag:s21] =	ssyncset.done $0x0  }
0xa3: {  	[sflag:s21] =	ssyncadd.s32 s3;
	_ =	sdelay $0x1  }
0xa4: {  	s22 =	simm.s32 $0x1B8B  }
0xa5: {  	_ =	swait.ge [sflag:s22], $0x1  }
0xa6: {  	[sflag:s22] =	ssyncset.done $0x0  }
0xa7: {  	s23 =	simm.s32 $0x1B8E;
	[sflag:s22] =	ssyncadd.s32 $0xFFFFFFFF  }
0xa8: {  	s24 =	simm.s32 $execute0_lowered;
	[smem:$0x3FD2] =	sst s23  }
0xa9: {  	s3 =	sshll.u32 s24, $0x1;
	_ =	strace $0x80000046;
	[dreg:$0x1] =	wrdreg $0xFFFFFFFF  }
0xaa: {  	s25 =	simm.s32 $_size_execute0_lowered;
	s2 =	sadd.s32 s2, s3;
	[dreg:$0x0] =	wrdreg $0x0  }
0xab: {  	s3 =	sshll.u32 s25, $0x1;
	[dreg:$0x2] =	wrdreg s2  }
0xac: {  	[dreg:$0x3] =	wrdreg s3  }
0xad: {  	[dreg:$0x4] =	wrdreg $0xC0  }
0xae: {  	_ =	task [dreg:s6], $0x5FFFF  }
0xaf: {  	[dreg:$0x1] =	wrdreg $0xFFFFFFFF  }
0xb0: {  	[dreg:$0x0] =	wrdreg $0x60  }
0xb1: {  	[dreg:$0x2] =	wrdreg s15  }
0xb2: {  	[dreg:$0x3] =	wrdreg s16  }
0xb3: {  	[dreg:$0x4] =	wrdreg $0x9  }
0xb4: {  	_ =	task.clear_ibuf [dreg:s6], $0x5FFFF;
	_ =	strace $0x90000046  }
0xb5: {  	s26 =	simm.s32 $0x9;
	_ =	strace $0x80000048  }
0xb6: {  	_ =	swait.ge [sflag:s26], $0x1  }
0xb7: {  	[sflag:s26] =	ssyncadd.s32 $0xFFFFFFFF  }
0xb8: {  	_ =	strace $0x90000048  }
0xb9: {  	_ =	sfence  }
0xba: {  	s28 =	sld [smem:$0x0];
	_ =	sdelay $0x1  }
0xbb: {  	s29 =	srdreg.scid  }
0xbc: {  	s30 =	sshll.u32 s29, $0xD;
	s31 =	sshrl.u32 s29, $0x2  }
0xbd: {  	s1 =	sand.u32 $0x1, s29;
	s2 =	sand.u32 $0x4000, s30;
	s0 =	sadd.s32 s31, s28  }
0xbe: {  	s1 =	sor.u32 s2, s1;
	s0 =	sshll.u32 s0, $0x11  }
0xbf: {  	s0 =	sor.u32 s0, s1  }
0xc0: {  	s0 =	sadd.s32 $0x8F2B, s0  }
0xc1: {  	[sflag:s0] =	ssyncadd.remote.s32 $0x1  }
0xc2: {  	_ =	sfence.sel $0xFFFF  }
0xc3: {  	[dreg:$0x0] =	wrdreg $0xFFFFFFFF;
	(pc) =	sbr.abs _section_cstart, $3  }
0xc4: {  	[dreg:$0x1] =	wrdreg $0xFFFFFFFF  }
0xc5: {  	_ =	task.clear_ibuf [dreg:s6], $0x2FFFF;
	_ =	strace $0x9FFFFFFF  }
0xc6: {  	(tm) =	ssettm $0x7FFFFFFF  }
0xc7: {  	_ =	shalt  }
tec
execute0_lowered:
.L_overlay_start_1:
0x0: {  	(tag) =	ssettag $0x1  }
0x1: {  	s2 =	stileid.u32  }
0x2: {  	p0 =	sne.s32 s2, $0x0  }
.Ltmp0:
0x3: {  	_ = 	snop;
	(pc) =	sbr.rel @p0 .LBB2_2-.Ltmp0, $4  }
0x4: {  	_ = 	snop  }
0x5: {  	s3 =	rddreg [dreg:$0x0]  }
0x6: {  	s1 =	rddreg [dreg:$0x1]  }
0x7: {  	s0 =	rddreg [dreg:$0x2];
	_ =	strace $0x80000047  }
0x8: {  	v0 =	vimm.f32 $1.000000000e+02  }
0x9: {  	(erf) = vrcp.f32 v0;
	_ =	sdelay $0x6  }
0xa: {  	s2 =	simm.s32 $0x0  }
0xb: {  	[tilespmem:s2], [sflag:$0x1] =	stream.linear.gather [hbm4b:s3+s2], $0x100, $0x38;
	[tilespmem:$0x280] =	vst v63  }
0xc: {  	s3 =	simm.s32 $0x1;
	v0 =	vpop (erf)  }
0xd: {  	_ =	swait.ge [sflag:s3], $0x100  }
0xe: {  	[sflag:s3] =	ssyncset.done $0x0  }
0xf: {  	[sflag:s3] =	ssyncadd.s32 $0xFFFFFF00  }
0x10: {  	v12 =	vld [tilespmem:$0x0];
	_ =	sdelay $0x2  }
0x11: {  	v9 =	vld [tilespmem:$0x10];
	_ =	sdelay $0x1  }
0x12: {  	v7 =	vld [tilespmem:$0x20];
	(xrf2) =	vadd.scan.msk.f32 $0xffff, v12  }
0x13: {  	(xrf0) =	vmax.scan.msk.f32 $0xffff, v12  }
0x14: {  	v4 =	vld [tilespmem:$0x30];
	(xrf0) =	vmin.scan.msk.f32 $0xffff, v12  }
0x15: {  	(xrf2) =	vadd.scan.msk.f32 $0xffff, v9  }
0x16: {  	(xrf0) =	vmax.scan.msk.f32 $0xffff, v9  }
0x17: {  	(xrf2) =	vadd.scan.msk.f32 $0xffff, v7  }
0x18: {  	(xrf0) =	vmin.scan.msk.f32 $0xffff, v9  }
0x19: {  	v1 =	vld [tilespmem:$0x40];
	(xrf2) =	vadd.scan.msk.f32 $0xffff, v4  }
0x1a: {  	(xrf0) =	vmax.scan.msk.f32 $0xffff, v7;
	v2, _, _ =	vpop (xrf0)  }
0x1b: {  	(xrf0) =	vmin.scan.msk.f32 $0xffff, v7;
	(v2sf) =	vpush v2, $0xF;
	v5, _, _ =	vpop (xrf0)  }
0x1c: {  	(xrf0) =	vmax.scan.msk.f32 $0xffff, v4;
	v2 =	vld [tilespmem:$0x50];
	(v2sf) =	vpush v5, $0xF;
	v3, _, _ =	vpop (xrf2)  }
0x1d: {  	v6, _, _ =	vpop (xrf0);
	(xrf0) =	vmin.scan.msk.f32 $0xffff, v4;
	(v2sf) =	vpush v3, $0xF  }
0x1e: {  	v8, _, _ =	vpop (xrf0);
	(xrf2) =	vadd.scan.msk.f32 $0xffff, v1;
	(v2sf) =	vpush v6, $0xF  }
0x1f: {  	(xrf0) =	vmax.scan.msk.f32 $0xffff, v1;
	v5, _, _ =	vpop (xrf2);
	v3 =	vld [tilespmem:$0x60];
	(v2sf) =	vpush v8, $0xF  }
0x20: {  	v10, _, _ =	vpop (xrf0);
	(xrf0) =	vmin.scan.msk.f32 $0xffff, v1;
	(v2sf) =	vpush v5, $0xF  }
0x21: {  	v11, _, _ =	vpop (xrf0);
	(xrf2) =	vadd.scan.msk.f32 $0xffff, v2;
	(v2sf) =	vpush v10, $0xF  }
0x22: {  	v6, _, _ =	vpop (xrf2);
	(xrf0) =	vmax.scan.msk.f32 $0xffff, v2;
	v5 =	vld [tilespmem:$0x70];
	(v2sf) =	vpush v11, $0xF  }
0x23: {  	v13, _, _ =	vpop (xrf0);
	(xrf0) =	vmin.scan.msk.f32 $0xffff, v2;
	(v2sf) =	vpush v6, $0xF  }
0x24: {  	v14, _, _ =	vpop (xrf0);
	(xrf2) =	vadd.scan.msk.f32 $0xffff, v3;
	(v2sf) =	vpush v13, $0xF  }
0x25: {  	v8, _, _ =	vpop (xrf2);
	(xrf0) =	vmax.scan.msk.f32 $0xffff, v3;
	v6 =	vld [tilespmem:$0x80];
	(v2sf) =	vpush v14, $0xF  }
0x26: {  	v15, _, _ =	vpop (xrf0);
	(xrf0) =	vmin.scan.msk.f32 $0xffff, v3;
	(v2sf) =	vpush v8, $0xF  }
0x27: {  	v16, _, _ =	vpop (xrf0);
	(xrf2) =	vadd.scan.msk.f32 $0xffff, v5;
	(v2sf) =	vpush v15, $0xF  }
0x28: {  	(xrf0) =	vmax.scan.msk.f32 $0xffff, v5;
	v10, _, _ =	vpop (xrf2);
	v8 =	vld [tilespmem:$0x90];
	(v2sf) =	vpush v16, $0xF  }
0x29: {  	v17, _, _ =	vpop (xrf0);
	(xrf0) =	vmin.scan.msk.f32 $0xffff, v5;
	(v2sf) =	vpush v10, $0xF  }
0x2a: {  	v18, _, _ =	vpop (xrf0);
	s4 =	spop (v2sf);
	(xrf2) =	vadd.scan.msk.f32 $0xffff, v6;
	(v2sf) =	vpush v17, $0xF  }
0x2b: {  	v11, _, _ =	vpop (xrf2);
	(xrf0) =	vmax.scan.msk.f32 $0xffff, v6;
	s11 =	spop (v2sf);
	v10 =	vld [tilespmem:$0xA0];
	(v2sf) =	vpush v18, $0xF  }
0x2c: {  	v19, _, _ =	vpop (xrf0);
	(xrf0) =	vmin.scan.msk.f32 $0xffff, v6;
	s5 =	spop (v2sf);
	(v2sf) =	vpush v11, $0xF  }
0x2d: {  	v20, _, _ =	vpop (xrf0);
	(xrf2) =	vadd.scan.msk.f32 $0xffff, v8;
	s12 =	spop (v2sf);
	(v2sf) =	vpush v19, $0xF  }
0x2e: {  	(xrf0) =	vmax.scan.msk.f32 $0xffff, v8;
	v13, _, _ =	vpop (xrf2);
	v11 =	vld [tilespmem:$0xB0];
	s13 =	spop (v2sf);
	(v2sf) =	vpush v20, $0xF  }
0x2f: {  	v21, _, _ =	vpop (xrf0);
	(xrf0) =	vmin.scan.msk.f32 $0xffff, v8;
	s6 =	spop (v2sf);
	(v2sf) =	vpush v13, $0xF  }
0x30: {  	v22, _, _ =	vpop (xrf0);
	(xrf2) =	vadd.scan.msk.f32 $0xffff, v10;
	s15 =	spop (v2sf);
	(v2sf) =	vpush v21, $0xF  }
0x31: {  	(xrf0) =	vmax.scan.msk.f32 $0xffff, v10;
	v14, _, _ =	vpop (xrf2);
	v13 =	vld [tilespmem:$0xC0];
	s14 =	spop (v2sf);
	(v2sf) =	vpush v22, $0xF  }
0x32: {  	v23, _, _ =	vpop (xrf0);
	(xrf0) =	vmin.scan.msk.f32 $0xffff, v10;
	s7 =	spop (v2sf);
	(v2sf) =	vpush v14, $0xF  }
0x33: {  	v24, _, _ =	vpop (xrf0);
	(xrf2) =	vadd.scan.msk.f32 $0xffff, v11;
	s16 =	spop (v2sf);
	(v2sf) =	vpush v23, $0xF  }
0x34: {  	(xrf0) =	vmax.scan.msk.f32 $0xffff, v11;
	v15, _, _ =	vpop (xrf2);
	v14 =	vld [tilespmem:$0xD0];
	s17 =	spop (v2sf);
	(v2sf) =	vpush v24, $0xF  }
0x35: {  	v25, _, _ =	vpop (xrf0);
	(xrf0) =	vmin.scan.msk.f32 $0xffff, v11;
	s8 =	spop (v2sf);
	(v2sf) =	vpush v15, $0xF  }
0x36: {  	v26, _, _ =	vpop (xrf0);
	(xrf2) =	vadd.scan.msk.f32 $0xffff, v13;
	s18 =	spop (v2sf);
	(v2sf) =	vpush v25, $0xF  }
0x37: {  	(xrf0) =	vmax.scan.msk.f32 $0xffff, v13;
	v16, _, _ =	vpop (xrf2);
	v15 =	vld [tilespmem:$0xE0];
	s19 =	spop (v2sf);
	(v2sf) =	vpush v26, $0xF  }
0x38: {  	v27, _, _ =	vpop (xrf0);
	(xrf0) =	vmin.scan.msk.f32 $0xffff, v13;
	s9 =	spop (v2sf);
	(v2sf) =	vpush v16, $0xF  }
0x39: {  	v28, _, _ =	vpop (xrf0);
	(xrf2) =	vadd.scan.msk.f32 $0xffff, v14;
	s20 =	spop (v2sf);
	(v2sf) =	vpush v27, $0xF  }
0x3a: {  	(xrf0) =	vmax.scan.msk.f32 $0xffff, v14;
	v29, _, _ =	vpop (xrf2);
	s21 =	spop (v2sf);
	(v2sf) =	vpush v28, $0xF  }
0x3b: {  	v30, _, _ =	vpop (xrf0);
	(xrf0) =	vmin.scan.msk.f32 $0xffff, v14;
	s10 =	spop (v2sf);
	(v2sf) =	vpush v29, $0xF  }
0x3c: {  	v17, _, _ =	vpop (xrf0);
	v16 =	vld [tilespmem:$0xF0];
	(xrf2) =	vadd.scan.msk.f32 $0xffff, v15;
	s22 =	spop (v2sf);
	(v2sf) =	vpush v30, $0xF  }
0x3d: {  	s4 =	smax.f32 s4, s12;
	v18, _, _ =	vpop (xrf2);
	s23 =	spop (v2sf);
	(v2sf) =	vpush v17, $0xF  }
0x3e: {  	s30 =	smin.f32 s11, s13;
	v31, _, _ =	vpop (xrf0);
	(xrf0) =	vmax.scan.msk.f32 $0xffff, v15;
	s11 =	spop (v2sf);
	(v2sf) =	vpush v18, $0xF  }
0x3f: {  	s4 =	smax.f32 s4, s15;
	v32, _, _ =	vpop (xrf0);
	(xrf0) =	vmin.scan.msk.f32 $0xffff, v15;
	s31 =	spop (v2sf);
	(v2sf) =	vpush v31, $0xF  }
0x40: {  	s13 =	smin.f32 s30, s14;
	v33, _, _ =	vpop (xrf2);
	s24 =	spop (v2sf);
	(v2sf) =	vpush v32, $0xF  }
0x41: {  	s4 =	smax.f32 s4, s16;
	v34, _, _ =	vpop (xrf0);
	(xrf0) =	vmax.scan.msk.f32 $0xffff, v16;
	s12 =	spop (v2sf);
	(v2sf) =	vpush v33, $0xF  }
0x42: {  	s13 =	smin.f32 s13, s17;
	v35, _, _ =	vpop (xrf0);
	(xrf0) =	vmin.scan.msk.f32 $0xffff, v16;
	s17 =	spop (v2sf);
	(v2sf) =	vpush v34, $0xF  }
0x43: {  	s4 =	smax.f32 s4, s18;
	v36, _, _ =	vpop (xrf2);
	s18 =	spop (v2sf);
	(v2sf) =	vpush v35, $0xF  }
0x44: {  	s25 =	smin.f32 s13, s19;
	v37, _, _ =	vpop (xrf0);
	s13 =	spop (v2sf);
	(v2sf) =	vpush v36, $0xF  }
0x45: {  	s4 =	smax.f32 s4, s20;
	v38, _, _ =	vpop (xrf0);
	s26 =	spop (v2sf);
	(v2sf) =	vpush v37, $0xF  }
0x46: {  	s19 =	smin.f32 s25, s21;
	v39, _, _ =	vpop (xrf2);
	s28 =	spop (v2sf);
	(v2sf) =	vpush v38, $0xF  }
0x47: {  	s4 =	smax.f32 s4, s22;
	v40, _, _ =	vpop (xrf0);
	s14 =	spop (v2sf);
	(v2sf) =	vpush v39, $0xF  }
0x48: {  	s19 =	smin.f32 s19, s23;
	v41, _, _ =	vpop (xrf0);
	s29 =	spop (v2sf);
	(v2sf) =	vpush v40, $0xF  }
0x49: {  	s4 =	smax.f32 s4, s31;
	s30 =	spop (v2sf);
	(v2sf) =	vpush v41, $0xF  }
0x4a: {  	s19 =	smin.f32 s19, s24;
	s15 =	spop (v2sf)  }
0x4b: {  	s4 =	smax.f32 s4, s17;
	s31 =	spop (v2sf)  }
0x4c: {  	s17 =	smin.f32 s19, s18;
	s24 =	spop (v2sf)  }
0x4d: {  	s4 =	smax.f32 s4, s26;
	s16 =	spop (v2sf)  }
0x4e: {  	s17 =	smin.f32 s17, s28;
	s25 =	spop (v2sf)  }
0x4f: {  	s4 =	smax.f32 s4, s29;
	s26 =	spop (v2sf)  }
0x50: {  	s28 =	smin.f32 s17, s30;
	s17 =	spop (v2sf)  }
0x51: {  	s4 =	smax.f32 s4, s31;
	s29 =	spop (v2sf)  }
0x52: {  	s19 =	smin.f32 s28, s24;
	s30 =	spop (v2sf)  }
0x53: {  	s4 =	smax.f32 s4, s25;
	s18 =	spop (v2sf)  }
0x54: {  	s19 =	smin.f32 s19, s26;
	s31 =	spop (v2sf)  }
0x55: {  	s4 =	smax.f32 s4, s29;
	s23 =	spop (v2sf)  }
0x56: {  	s21 =	smin.f32 s19, s30;
	s24 =	spop (v2sf)  }
0x57: {  	s4 =	smax.f32 s4, s31;
	s25 =	spop (v2sf)  }
0x58: {  	s21 =	smin.f32 s21, s23;
	s26 =	spop (v2sf)  }
0x59: {  	(xrf2) =	vadd.scan.msk.f32 $0xffff, v16;
	s4 =	smax.f32 s4, s25;
	s28 =	smin.f32 s21, s26  }
0x5a: {  	s4 =	ssub.f32 s4, s28;
	_ =	sdelay $0x1  }
0x5b: {  	v42 =	vmul.f32 s4, v0;
	_ =	sdelay $0x1  }
0x5c: {  	(xrf0) =	vmax.scan.msk.f32 $0xffff, v42;
	_ =	sdelay $0x4  }
0x5d: {  	v43, _, _ =	vpop (xrf2)  }
0x5e: {  	(v2sf) =	vpush v43, $0xF;
	v44, _, _ =	vpop (xrf0)  }
0x5f: {  	(v2sf) =	vpush v44, $0xF;
	_ =	sdelay $0xd  }
0x60: {  	s29 =	spop (v2sf)  }
0x61: {  	s21 =	spop (v2sf)  }
0x62: {  	p1 =	seq.f32 s21, $0.0e+00;
	_ =	sdelay $0x1  }
0x63: {  	s21 =	simm.s32 @p1 $0x3F800000  }
0x64: {  	v45 =	vmov s21  }
0x65: {  	(erf) = vrcp.f32 v45;
	_ =	sdelay $0x8  }
0x66: {  	v46 =	vpop (erf)  }
0x67: {  	v47 =	vmul.f32 v46, v12;
	v20 =	vmul.f32 v46, v9  }
0x68: {  	v19 =	vimm.f32 $0.0e+00;
	v21 =	vmul.f32 v46, v7;
	v23 =	vmul.f32 v46, v4  }
0x69: {  	[tilespmem:$0x100] =	vst v19;
	v24 =	vmul.f32 v46, v1;
	v26 =	vmul.f32 v46, v2  }
0x6a: {  	[tilespmem:$0x180] =	vst v19;
	v50 =	vmul.f32 v46, v3;
	v53 =	vmul.f32 v46, v5  }
0x6b: {  	[tilespmem:$0x110] =	vst v19;
	v54 =	vmul.f32 v46, v6;
	v60 =	vmul.f32 v46, v8  }
0x6c: {  	[tilespmem:$0x190] =	vst v19;
	v62 =	vmul.f32 v46, v10;
	v29 =	vmul.f32 v46, v14  }
0x6d: {  	[tilespmem:$0x120] =	vst v19;
	v31 =	vmul.f32 v46, v15;
	v17 =	vtrunc.f32 v47  }
0x6e: {  	[tilespmem:$0x1A0] =	vst v19;
	v35 =	vmul.f32 v46, v16;
	v17 =	vcvt.f32.s32 v17  }
0x6f: {  	v48 =	vimm.f32 $1.000000000e+00;
	[tilespmem:$0x130] =	vst v19;
	v20 =	vtrunc.f32 v20;
	v21 =	vtrunc.f32 v21  }
0x70: {  	[tilespmem:$0x1B0] =	vst v19;
	v23 =	vtrunc.f32 v23;
	v20 =	vcvt.f32.s32 v20;
	vm1 =	vgt.s32 v17, $0x0  }
0x71: {  	[tilespmem:$0x140] =	vst v19;
	v24 =	vtrunc.f32 v24;
	vm0 =	vgt.s32 v17, $0xFFFFFFFF;
	v17 =	vnsel vm1, $0x0, v17  }
0x72: {  	[tilespmem:$0x1C0] =	vst v19;
	v21 =	vcvt.f32.s32 v21;
	vm2 =	vgt.s32 v20, $0x0;
	v22 =	vmin.u32 v17, $0x63  }
0x73: {  	[tilespmem:$0x150] =	vst v19;
	v26 =	vtrunc.f32 v26;
	vm12 =	vgt.s32 v20, $0xFFFFFFFF;
	v20 =	vnsel vm2, $0x0, v20  }
0x74: {  	[tilespmem:$0x1D0] =	vst v19;
	v23 =	vcvt.f32.s32 v23;
	vm13 =	vgt.s32 v21, $0x0;
	v20 =	vmin.u32 v20, $0x63  }
0x75: {  	[tilespmem:$0x160] =	vst v19;
	v56 =	vtrunc.f32 v53;
	vm3 =	vgt.s32 v21, $0xFFFFFFFF;
	v21 =	vnsel vm13, $0x0, v21  }
0x76: {  	[tilespmem:$0x1E0] =	vst v19;
	s30 =	simm.s32 $0x100;
	v24 =	vcvt.f32.s32 v24;
	vm14 =	vgt.s32 v23, $0x0;
	v21 =	vmin.u32 v21, $0x63  }
0x77: {  	s31 =	simm.s32 $0x180;
	v61 =	vtrunc.f32 v60;
	vm4 =	vgt.s32 v23, $0xFFFFFFFF;
	v25 =	vnsel vm14, $0x0, v23;
	[tilespmem:v22+s30+$0x0] =	vst.idx.add.f32.msk vm0, v48  }
0x78: {  	v52 =	vcvt.f32.s32 v26;
	vm5 =	vgt.s32 v24, $0x0;
	v49 =	vmin.u32 v25, $0x63;
	[tilespmem:v22+s31+$0x0] =	vst.idx.add.f32.msk vm0, v12  }
0x79: {  	vm15 =	vgt.s32 v24, $0xFFFFFFFF;
	v51 =	vnsel vm5, $0x0, v24;
	v25 =	vtrunc.f32 v50;
	[tilespmem:v20+s30+$0x0] =	vst.idx.add.f32.msk vm12, v48  }
0x7a: {  	vm8 =	vgt.s32 v52, $0x0;
	v19 =	vmin.u32 v51, $0x63;
	v25 =	vcvt.f32.s32 v25;
	[tilespmem:v20+s31+$0x0] =	vst.idx.add.f32.msk vm12, v9  }
0x7b: {  	v57 =	vcvt.f32.s32 v56;
	vm5 =	vgt.s32 v52, $0xFFFFFFFF;
	v55 =	vnsel vm8, $0x0, v52;
	[tilespmem:v21+s30+$0x0] =	vst.idx.add.f32.msk vm3, v48  }
0x7c: {  	v26 =	vmul.f32 v46, v13;
	vm10 =	vgt.s32 v25, $0x0;
	v22 =	vmin.u32 v55, $0x63;
	[tilespmem:v21+s31+$0x0] =	vst.idx.add.f32.msk vm3, v7  }
0x7d: {  	vm9 =	vgt.s32 v25, $0xFFFFFFFF;
	v58 =	vnsel vm10, $0x0, v25;
	v12 =	vtrunc.f32 v54;
	[tilespmem:v49+s30+$0x0] =	vst.idx.add.f32.msk vm4, v48  }
0x7e: {  	vm11 =	vgt.s32 v57, $0x0;
	v59 =	vmin.u32 v58, $0x63;
	v12 =	vcvt.f32.s32 v12;
	[tilespmem:v49+s31+$0x0] =	vst.idx.add.f32.msk vm4, v4  }
0x7f: {  	v23 =	vmul.f32 v46, v11;
	vm12 =	vgt.s32 v57, $0xFFFFFFFF;
	v9 =	vnsel vm11, $0x0, v57;
	[tilespmem:v19+s30+$0x0] =	vst.idx.add.f32.msk vm15, v48  }
0x80: {  	vm13 =	vgt.s32 v12, $0x0;
	v9 =	vmin.u32 v9, $0x63;
	v4 =	vcvt.f32.s32 v61;
	[tilespmem:v19+s31+$0x0] =	vst.idx.add.f32.msk vm15, v1  }
0x81: {  	vm1 =	vgt.s32 v12, $0xFFFFFFFF;
	v12 =	vnsel vm13, $0x0, v12;
	v21 =	vtrunc.f32 v62;
	[tilespmem:v22+s30+$0x0] =	vst.idx.add.f32.msk vm5, v48  }
0x82: {  	v63 =	vmin.u32 v12, $0x63;
	v12 =	vcvt.f32.s32 v21;
	vm15 =	vgt.s32 v4, $0x0;
	[tilespmem:v22+s31+$0x0] =	vst.idx.add.f32.msk vm5, v2  }
0x83: {  	v25 =	vtrunc.f32 v23;
	vm14 =	vgt.s32 v4, $0xFFFFFFFF;
	v24 =	vnsel vm15, $0x0, v4;
	[tilespmem:v59+s30+$0x0] =	vst.idx.add.f32.msk vm9, v48  }
0x84: {  	vm8 =	vgt.s32 v12, $0x0;
	v4 =	vcvt.f32.s32 v25;
	v2 =	vmin.u32 v24, $0x63;
	[tilespmem:v59+s31+$0x0] =	vst.idx.add.f32.msk vm9, v3  }
0x85: {  	v28 =	vtrunc.f32 v26;
	v27 =	vnsel vm8, $0x0, v12;
	vm9 =	vgt.s32 v12, $0xFFFFFFFF;
	[tilespmem:v9+s30+$0x0] =	vst.idx.add.f32.msk vm12, v48  }
0x86: {  	v7 =	vcvt.f32.s32 v28;
	vm10 =	vgt.s32 v4, $0x0;
	v3 =	vmin.u32 v27, $0x63;
	[tilespmem:v9+s31+$0x0] =	vst.idx.add.f32.msk vm12, v5  }
0x87: {  	v30 =	vtrunc.f32 v29;
	vm11 =	vgt.s32 v4, $0xFFFFFFFF;
	v4 =	vnsel vm10, $0x0, v4;
	[tilespmem:v63+s30+$0x0] =	vst.idx.add.f32.msk vm1, v48  }
0x88: {  	v32 =	vmin.u32 v4, $0x63;
	vm12 =	vgt.s32 v7, $0x0;
	v5 =	vcvt.f32.s32 v30;
	[tilespmem:v63+s31+$0x0] =	vst.idx.add.f32.msk vm1, v6  }
0x89: {  	v34 =	vtrunc.f32 v31;
	vm13 =	vgt.s32 v7, $0xFFFFFFFF;
	v33 =	vnsel vm12, $0x0, v7;
	[tilespmem:v2+s30+$0x0] =	vst.idx.add.f32.msk vm14, v48  }
0x8a: {  	v37 =	vcvt.f32.s32 v34;
	v36 =	vmin.u32 v33, $0x63;
	[tilespmem:v2+s31+$0x0] =	vst.idx.add.f32.msk vm14, v8;
	vm14 =	vgt.s32 v5, $0x0  }
0x8b: {  	v39 =	vtrunc.f32 v35;
	vm15 =	vgt.s32 v5, $0xFFFFFFFF;
	[tilespmem:v3+s30+$0x0] =	vst.idx.add.f32.msk vm9, v48;
	v38 =	vnsel vm14, $0x0, v5  }
0x8c: {  	vm6 =	vgt.s32 v37, $0x0;
	v5 =	vcvt.f32.s32 v39;
	[tilespmem:v3+s31+$0x0] =	vst.idx.add.f32.msk vm9, v10;
	v40 =	vmin.u32 v38, $0x63  }
0x8d: {  	vm7 =	vgt.s32 v37, $0xFFFFFFFF;
	v41 =	vnsel vm6, $0x0, v37;
	[tilespmem:v32+s30+$0x0] =	vst.idx.add.f32.msk vm11, v48  }
0x8e: {  	v42 =	vmin.u32 v41, $0x63;
	vm8 =	vgt.s32 v5, $0x0;
	[tilespmem:v32+s31+$0x0] =	vst.idx.add.f32.msk vm11, v11  }
0x8f: {  	vm9 =	vgt.s32 v5, $0xFFFFFFFF;
	v43 =	vnsel vm8, $0x0, v5;
	[tilespmem:v36+s30+$0x0] =	vst.idx.add.f32.msk vm13, v48  }
0x90: {  	v44 =	vmin.u32 v43, $0x63;
	[tilespmem:v36+s31+$0x0] =	vst.idx.add.f32.msk vm13, v13  }
0x91: {  	[tilespmem:v40+s30+$0x0] =	vst.idx.add.f32.msk vm15, v48  }
0x92: {  	[tilespmem:v40+s31+$0x0] =	vst.idx.add.f32.msk vm15, v14  }
0x93: {  	[tilespmem:v42+s30+$0x0] =	vst.idx.add.f32.msk vm7, v48  }
0x94: {  	[tilespmem:v42+s31+$0x0] =	vst.idx.add.f32.msk vm7, v15  }
0x95: {  	s5 =	sadd.f32 $0.0e+00, s5;
	[tilespmem:v44+s30+$0x0] =	vst.idx.add.f32.msk vm9, v48  }
0x96: {  	[tilespmem:v44+s31+$0x0] =	vst.idx.add.f32.msk vm9, v16  }
0x97: {  	s5 =	sadd.f32 s6, s5;
	v1 =	vld [tilespmem:$0x100];
	_ =	sdelay $0x1  }
0x98: {  	s5 =	sadd.f32 s7, s5;
	_ =	sdelay $0x1  }
0x99: {  	s5 =	sadd.f32 s8, s5  }
0x9a: {  	(xrf2) =	vadd.scan.msk.f32 $0xffff, v1  }
0x9b: {  	s5 =	sadd.f32 s9, s5;
	_ =	sdelay $0x1  }
0x9c: {  	s5 =	sadd.f32 s10, s5;
	_ =	sdelay $0x1  }
0x9d: {  	s5 =	sadd.f32 s11, s5;
	_ =	sdelay $0x1  }
0x9e: {  	s5 =	sadd.f32 s12, s5;
	v45 =	vld [tilespmem:$0x180];
	_ =	sdelay $0x1  }
0x9f: {  	s5 =	sadd.f32 s13, s5  }
0xa0: {  	v46, _, _ =	vpop (xrf2)  }
0xa1: {  	s5 =	sadd.f32 s14, s5;
	v47 =	vadd.f32 $0.0e+00, v46  }
0xa2: {  	(xrf2) =	vadd.scan.msk.f32 $0xffff, v45  }
0xa3: {  	s5 =	sadd.f32 s15, s5;
	v48 =	vsub.f32 $2.560000000e+02, v47  }
0xa4: {  	vm10 =	veq.f32 v46, $0.0e+00  }
0xa5: {  	s5 =	sadd.f32 s16, s5;
	v49 =	vsel vm10, $0x3F800000, v47;
	vm11 =	veq.f32 v48, $0.0e+00  }
0xa6: {  	(erf) = vrcp.f32 v49;
	v50 =	vsel vm11, $0x3F800000, v48  }
0xa7: {  	s5 =	sadd.f32 s17, s5;
	(erf) = vrcp.f32 v50;
	_ =	sdelay $0x1  }
0xa8: {  	s5 =	sadd.f32 s18, s5;
	_ =	sdelay $0x1  }
0xa9: {  	s5 =	sadd.f32 s24, s5  }
0xaa: {  	v51, _, _ =	vpop (xrf2)  }
0xab: {  	s5 =	sadd.f32 s29, s5;
	v4 =	vadd.f32 $0.0e+00, v51;
	_ =	sdelay $0x1  }
0xac: {  	v52 =	vpop (erf);
	v53 =	vsub.f32 s5, v4  }
0xad: {  	v55 =	vld [tilespmem:$0x110];
	v54 =	vpop (erf)  }
0xae: {  	v5 =	vmul.f32 v52, v4;
	v6 =	vmul.f32 v54, v53;
	_ =	sdelay $0x1  }
0xaf: {  	v56 =	vmul.f32 v48, v47;
	v5 =	vsub.f32 v5, v6;
	_ =	sdelay $0x1  }
0xb0: {  	(xrf2) =	vadd.scan.msk.f32 $0xffff, v55;
	v6 =	vmul.f32 v5, v56;
	_ =	sdelay $0x1  }
0xb1: {  	vm12 =	vgt.f32 v46, $0.0e+00;
	(xrf0) =	vmax.scan.msk.f32 $0xffff, v47;
	vm13 =	vgt.f32 v48, $0.0e+00;
	v5 =	vmul.f32 v6, v5  }
0xb2: {  	vm0 =	vmand vm12, vm13;
	(xrf0) =	vmax.scan.msk.f32 $0xffff, v4  }
0xb3: {  	v57 =	vnsel vm0, $0xFF800000, v5  }
0xb4: {  	(xrf0) =	vmax.scan.msk.f32 $0xffff, v57  }
0xb5: {  	v58 =	vld [tilespmem:$0x190];
	_ =	sdelay $0x1  }
0xb6: {  	v3, _, _ =	vpop (xrf0)  }
0xb7: {  	v59, _, _ =	vpop (xrf0)  }
0xb8: {  	v8 =	vld [tilespmem:$0x120];
	v3 =	vbroadcast v3, $0xF;
	v7, _, _ =	vpop (xrf2)  }
0xb9: {  	(xrf2) =	vadd.scan.msk.f32 $0xffff, v58;
	v2, _, _ =	vpop (xrf0)  }
0xba: {  	v7 =	vadd.f32 v3, v7;
	v60 =	vbroadcast v2, $0xF  }
0xbb: {  	v61 =	vlaneseq.u32  }
0xbc: {  	v1 =	vor.u32 $0x80000000, v61;
	v63 =	vsub.f32 $2.560000000e+02, v7;
	vm0 =	veq.f32 v57, v60  }
0xbd: {  	(xrf2) =	vadd.scan.msk.f32 $0xffff, v8;
	vm14 =	veq.f32 v7, $0.0e+00;
	v62 =	vnsel vm0, $0x80000010, v1  }
0xbe: {  	v15 =	vsel vm14, $0x3F800000, v7;
	vm15 =	veq.f32 v63, $0.0e+00;
	(xrf0) =	vmin.scan.msk.u32 $0xffff, v62  }
0xbf: {  	(erf) = vrcp.f32 v15;
	v16 =	vsel vm15, $0x3F800000, v63;
	(xrf0) =	vmax.scan.msk.f32 $0xffff, v7  }
0xc0: {  	(erf) = vrcp.f32 v16;
	_ =	sdelay $0x2  }
0xc1: {  	v17, _, _ =	vpop (xrf2)  }
0xc2: {  	v18 =	vld [tilespmem:$0x1A0];
	v5 =	vbroadcast v59, $0xF;
	v3, _, _ =	vpop (xrf0)  }
0xc3: {  	v19, _, _ =	vpop (xrf0)  }
0xc4: {  	v5 =	vadd.f32 v5, v17;
	v6 =	vbroadcast v19, $0xF  }
0xc5: {  	v22, _, _ =	vpop (xrf2)  }
0xc6: {  	v21 =	vsub.f32 s5, v5;
	v20 =	vpop (erf);
	v6 =	vadd.f32 v6, v22  }
0xc7: {  	(xrf2) =	vadd.scan.msk.f32 $0xffff, v18;
	v23 =	vpop (erf)  }
0xc8: {  	v9 =	vmul.f32 v20, v5;
	v10 =	vmul.f32 v23, v21;
	v24 =	vsub.f32 $2.560000000e+02, v6  }
0xc9: {  	v26 =	vmul.f32 v63, v7;
	(xrf0) =	vmax.scan.msk.f32 $0xffff, v5;
	vm4 =	veq.f32 v6, $0.0e+00  }
0xca: {  	v25 =	vsub.f32 v9, v10;
	v27 =	vsel vm4, $0x3F800000, v6;
	vm5 =	veq.f32 v24, $0.0e+00  }
0xcb: {  	(erf) = vrcp.f32 v27;
	v28 =	vsel vm5, $0x3F800000, v24  }
0xcc: {  	v9 =	vmul.f32 v25, v26;
	(erf) = vrcp.f32 v28;
	_ =	sdelay $0x1  }
0xcd: {  	vm6 =	vgt.f32 v7, $0.0e+00;
	vm7 =	vgt.f32 v63, $0.0e+00;
	v5 =	vmul.f32 v9, v25  }
0xce: {  	vm0 =	vmand vm6, vm7;
	v29, _, _ =	vpop (xrf0)  }
0xcf: {  	v5 =	vnsel vm0, $0xFF800000, v5;
	v4 =	vbroadcast v29, $0xF  }
0xd0: {  	v30, _, _ =	vpop (xrf2);
	(xrf0) =	vmax.scan.msk.f32 $0xffff, v5  }
0xd1: {  	v35 =	vld [tilespmem:$0x130];
	v7 =	vadd.f32 v4, v30;
	_ =	sdelay $0x1  }
0xd2: {  	v32 =	vsub.f32 s5, v7;
	v31 =	vpop (erf)  }
0xd3: {  	v33 =	vpop (erf)  }
0xd4: {  	v9 =	vmul.f32 v31, v7;
	v10 =	vmul.f32 v33, v32  }
0xd5: {  	(xrf2) =	vadd.scan.msk.f32 $0xffff, v35;
	v4, _, _ =	vpop (xrf0)  }
0xd6: {  	v36 =	vmul.f32 v24, v6;
	v34 =	vbroadcast v4, $0xF;
	v9 =	vsub.f32 v9, v10;
	_ =	sdelay $0x1  }
0xd7: {  	vm0 =	veq.f32 v5, v34;
	v10 =	vmul.f32 v9, v36  }
0xd8: {  	v5 =	vnsel vm0, $0x80000010, v1  }
0xd9: {  	vm8 =	vgt.f32 v6, $0.0e+00;
	vm9 =	vgt.f32 v24, $0.0e+00;
	(xrf0) =	vmin.scan.msk.u32 $0xffff, v5;
	v37 =	vmul.f32 v10, v9  }
0xda: {  	vm0 =	vmand vm8, vm9;
	(xrf0) =	vmax.scan.msk.f32 $0xffff, v6  }
0xdb: {  	(xrf0) =	vmax.scan.msk.f32 $0xffff, v7;
	v38 =	vnsel vm0, $0xFF800000, v37  }
0xdc: {  	(xrf0) =	vmax.scan.msk.f32 $0xffff, v38  }
0xdd: {  	v40 =	vld [tilespmem:$0x1B0]  }
0xde: {  	v12, _, _ =	vpop (xrf2)  }
0xdf: {  	v5, _, _ =	vpop (xrf0)  }
0xe0: {  	v39, _, _ =	vpop (xrf0)  }
0xe1: {  	v13 =	vld [tilespmem:$0x140];
	v41, _, _ =	vpop (xrf0);
	v8 =	vbroadcast v39, $0xF  }
0xe2: {  	(xrf2) =	vadd.scan.msk.f32 $0xffff, v40;
	v6, _, _ =	vpop (xrf0)  }
0xe3: {  	v8 =	vadd.f32 v8, v12;
	v42 =	vbroadcast v6, $0xF;
	_ =	sdelay $0x1  }
0xe4: {  	v43 =	vsub.f32 $2.560000000e+02, v8;
	vm0 =	veq.f32 v38, v42  }
0xe5: {  	(xrf2) =	vadd.scan.msk.f32 $0xffff, v13;
	vm10 =	veq.f32 v8, $0.0e+00;
	v7 =	vnsel vm0, $0x80000010, v1  }
0xe6: {  	v44 =	vsel vm10, $0x3F800000, v8;
	vm11 =	veq.f32 v43, $0.0e+00;
	(xrf0) =	vmin.scan.msk.u32 $0xffff, v7  }
0xe7: {  	(erf) = vrcp.f32 v44;
	v45 =	vsel vm11, $0x3F800000, v43;
	(xrf0) =	vmax.scan.msk.f32 $0xffff, v8  }
0xe8: {  	(erf) = vrcp.f32 v45;
	_ =	sdelay $0x2  }
0xe9: {  	v46, _, _ =	vpop (xrf2)  }
0xea: {  	v47 =	vld [tilespmem:$0x1C0];
	v10 =	vbroadcast v41, $0xF;
	v7, _, _ =	vpop (xrf0)  }
0xeb: {  	v48, _, _ =	vpop (xrf0)  }
0xec: {  	v10 =	vadd.f32 v10, v46;
	v11 =	vbroadcast v48, $0xF  }
0xed: {  	v51, _, _ =	vpop (xrf2)  }
0xee: {  	v50 =	vsub.f32 s5, v10;
	v49 =	vpop (erf);
	v11 =	vadd.f32 v11, v51  }
0xef: {  	(xrf2) =	vadd.scan.msk.f32 $0xffff, v47;
	v52 =	vpop (erf)  }
0xf0: {  	v13 =	vmul.f32 v49, v10;
	v14 =	vmul.f32 v52, v50;
	v53 =	vsub.f32 $2.560000000e+02, v11  }
0xf1: {  	v55 =	vmul.f32 v43, v8;
	(xrf0) =	vmax.scan.msk.f32 $0xffff, v10;
	vm12 =	veq.f32 v11, $0.0e+00  }
0xf2: {  	v54 =	vsub.f32 v13, v14;
	v56 =	vsel vm12, $0x3F800000, v11;
	vm13 =	veq.f32 v53, $0.0e+00  }
0xf3: {  	(erf) = vrcp.f32 v56;
	v57 =	vsel vm13, $0x3F800000, v53  }
0xf4: {  	v13 =	vmul.f32 v54, v55;
	(erf) = vrcp.f32 v57;
	_ =	sdelay $0x1  }
0xf5: {  	vm14 =	vgt.f32 v8, $0.0e+00;
	vm15 =	vgt.f32 v43, $0.0e+00;
	v10 =	vmul.f32 v13, v54  }
0xf6: {  	vm0 =	vmand vm14, vm15;
	v58, _, _ =	vpop (xrf0)  }
0xf7: {  	v59 =	vnsel vm0, $0xFF800000, v10;
	v8 =	vbroadcast v58, $0xF  }
0xf8: {  	v60, _, _ =	vpop (xrf2);
	(xrf0) =	vmax.scan.msk.f32 $0xffff, v59  }
0xf9: {  	v8 =	vadd.f32 v8, v60;
	_ =	sdelay $0x1  }
0xfa: {  	v62 =	vsub.f32 s5, v8;
	v61 =	vpop (erf)  }
0xfb: {  	v14 =	vpop (erf)  }
0xfc: {  	v20 =	vld [tilespmem:$0x150];
	v10 =	vmul.f32 v61, v8;
	v13 =	vmul.f32 v14, v62  }
0xfd: {  	v15, _, _ =	vpop (xrf0)  }
0xfe: {  	v21 =	vmul.f32 v53, v11;
	v63 =	vbroadcast v15, $0xF;
	v10 =	vsub.f32 v10, v13;
	_ =	sdelay $0x1  }
0xff: {  	vm0 =	veq.f32 v59, v63;
	v13 =	vmul.f32 v10, v21  }
0x100: {  	(xrf2) =	vadd.scan.msk.f32 $0xffff, v20;
	v9 =	vnsel vm0, $0x80000010, v1  }
0x101: {  	vm4 =	vgt.f32 v11, $0.0e+00;
	vm5 =	vgt.f32 v53, $0.0e+00;
	(xrf0) =	vmin.scan.msk.u32 $0xffff, v9;
	v22 =	vmul.f32 v13, v10  }
0x102: {  	vm0 =	vmand vm4, vm5;
	(xrf0) =	vmax.scan.msk.f32 $0xffff, v11  }
0x103: {  	(xrf0) =	vmax.scan.msk.f32 $0xffff, v8;
	v23 =	vnsel vm0, $0xFF800000, v22  }
0x104: {  	(xrf0) =	vmax.scan.msk.f32 $0xffff, v23;
	_ =	sdelay $0x2  }
0x105: {  	v25, _, _ =	vpop (xrf0)  }
0x106: {  	v24 =	vld [tilespmem:$0x1D0];
	v11, _, _ =	vpop (xrf0)  }
0x107: {  	v28 =	vld [tilespmem:$0x160];
	v26, _, _ =	vpop (xrf0)  }
0x108: {  	v27, _, _ =	vpop (xrf0)  }
0x109: {  	v11 =	vbroadcast v11, $0xF;
	v29 =	vbroadcast v27, $0xF  }
0x10a: {  	v16, _, _ =	vpop (xrf2)  }
0x10b: {  	(xrf2) =	vadd.scan.msk.f32 $0xffff, v24;
	v11 =	vadd.f32 v11, v16;
	vm0 =	veq.f32 v23, v29  }
0x10c: {  	(xrf2) =	vadd.scan.msk.f32 $0xffff, v28;
	v9 =	vnsel vm0, $0x80000010, v1  }
0x10d: {  	v30 =	vsub.f32 $2.560000000e+02, v11;
	(xrf0) =	vmin.scan.msk.u32 $0xffff, v9  }
0x10e: {  	vm6 =	veq.f32 v11, $0.0e+00;
	(xrf0) =	vmax.scan.msk.f32 $0xffff, v11  }
0x10f: {  	v31 =	vsel vm6, $0x3F800000, v11;
	vm7 =	veq.f32 v30, $0.0e+00  }
0x110: {  	(erf) = vrcp.f32 v31;
	v32 =	vsel vm7, $0x3F800000, v30  }
0x111: {  	(erf) = vrcp.f32 v32;
	_ =	sdelay $0x1  }
0x112: {  	v35 =	vld [tilespmem:$0x1E0];
	v34, _, _ =	vpop (xrf0)  }
0x113: {  	v36, _, _ =	vpop (xrf0)  }
0x114: {  	v33, _, _ =	vpop (xrf2);
	v12 =	vbroadcast v26, $0xF;
	v37 =	vbroadcast v36, $0xF  }
0x115: {  	v38, _, _ =	vpop (xrf2)  }
0x116: {  	v9 =	vadd.f32 v12, v33;
	v12 =	vadd.f32 v37, v38  }
0x117: {  	(xrf2) =	vadd.scan.msk.f32 $0xffff, v35  }
0x118: {  	v39 =	vpop (erf);
	v40 =	vsub.f32 s5, v9;
	v43 =	vsub.f32 $2.560000000e+02, v12  }
0x119: {  	v41 =	vpop (erf);
	v42 =	vmul.f32 v39, v9;
	(xrf0) =	vmax.scan.msk.f32 $0xffff, v9;
	vm8 =	veq.f32 v12, $0.0e+00  }
0x11a: {  	v17 =	vmul.f32 v41, v40;
	v45 =	vsel vm8, $0x3F800000, v12;
	vm9 =	veq.f32 v43, $0.0e+00  }
0x11b: {  	(erf) = vrcp.f32 v45;
	v47 =	vsel vm9, $0x3F800000, v43  }
0x11c: {  	v46 =	vmul.f32 v30, v11;
	v44 =	vsub.f32 v42, v17;
	(erf) = vrcp.f32 v47;
	_ =	sdelay $0x1  }
0x11d: {  	v48 =	vmul.f32 v44, v46  }
0x11e: {  	vm10 =	vgt.f32 v11, $0.0e+00;
	v49, _, _ =	vpop (xrf0)  }
0x11f: {  	vm11 =	vgt.f32 v30, $0.0e+00;
	v9 =	vmul.f32 v48, v44;
	v50 =	vbroadcast v49, $0xF  }
0x120: {  	v51, _, _ =	vpop (xrf2);
	vm0 =	vmand vm10, vm11  }
0x121: {  	v9 =	vnsel vm0, $0xFF800000, v9;
	v8 =	vadd.f32 v50, v51  }
0x122: {  	(xrf0) =	vmax.scan.msk.f32 $0xffff, v9  }
0x123: {  	v53 =	vsub.f32 s5, v8;
	v52 =	vpop (erf)  }
0x124: {  	v54 =	vpop (erf)  }
0x125: {  	v8 =	vmul.f32 v52, v8;
	v55 =	vmul.f32 v54, v53;
	_ =	sdelay $0x1  }
0x126: {  	v57 =	vmul.f32 v43, v12;
	v8 =	vsub.f32 v8, v55  }
0x127: {  	v56, _, _ =	vpop (xrf0)  }
0x128: {  	v58 =	vbroadcast v56, $0xF;
	v11 =	vmul.f32 v8, v57  }
0x129: {  	vm14 =	vmmov $0xf;
	vm12 =	vgt.f32 v12, $0.0e+00;
	vm13 =	vgt.f32 v43, $0.0e+00  }
0x12a: {  	vm1 =	vmand vm12, vm13;
	vm0 =	veq.f32 v9, v58;
	v8 =	vmul.f32 v11, v8  }
0x12b: {  	vm15 =	vmand vm1, vm14;
	v9 =	vnsel vm0, $0x80000010, v1  }
0x12c: {  	(v2sf) =	vpush v2, $0xF;
	(xrf0) =	vmin.scan.msk.u32 $0xffff, v9;
	v59 =	vnsel vm15, $0xFF800000, v8  }
0x12d: {  	(xrf0) =	vmax.scan.msk.f32 $0xffff, v59  }
0x12e: {  	(v2sf) =	vpush v3, $0xF  }
0x12f: {  	(v2sf) =	vpush v4, $0xF;
	_ =	sdelay $0x1  }
0x130: {  	(v2sf) =	vpush v5, $0xF  }
0x131: {  	(v2sf) =	vpush v6, $0xF;
	v60, _, _ =	vpop (xrf0)  }
0x132: {  	v61, _, _ =	vpop (xrf0)  }
0x133: {  	(v2sf) =	vpush v7, $0xF;
	v62 =	vbroadcast v61, $0xF  }
0x134: {  	(v2sf) =	vpush v15, $0xF  }
0x135: {  	vm0 =	veq.f32 v59, v62  }
0x136: {  	(v2sf) =	vpush v25, $0xF;
	v1 =	vnsel vm0, $0x80000010, v1  }
0x137: {  	(v2sf) =	vpush v27, $0xF;
	(xrf0) =	vmin.scan.msk.u32 $0xffff, v1;
	_ =	sdelay $0x1  }
0x138: {  	(v2sf) =	vpush v34, $0xF  }
0x139: {  	s5 =	spop (v2sf);
	(v2sf) =	vpush v56, $0xF  }
0x13a: {  	p1 =	sgt.f32 s5, $-Inf  }
0x13b: {  	s23 =	spop (v2sf);
	(v2sf) =	vpush v60, $0xF  }
0x13c: {  	s7 =	spop (v2sf);
	s5 =	simm.s32 @!p1 $0xFF800000;
	(v2sf) =	vpush v61, $0xF;
	v1, _, _ =	vpop (xrf0)  }
0x13d: {  	p2 =	sgt.f32 s7, s5;
	(v2sf) =	vpush v1, $0xF  }
0x13e: {  	s24 =	spop (v2sf)  }
0x13f: {  	s9 =	spop (v2sf);
	s5 =	smov.u32 @p2 s7  }
0x140: {  	p3 =	sgt.f32 s9, s5  }
0x141: {  	s25 =	spop (v2sf)  }
0x142: {  	s10 =	spop (v2sf);
	s5 =	smov.u32 @p3 s9  }
0x143: {  	p4 =	sgt.f32 s10, s5  }
0x144: {  	s26 =	spop (v2sf)  }
0x145: {  	s6 =	sxor.u32 $0x80000000, s23;
	s5 =	smov.u32 @p4 s10;
	s10 =	spop (v2sf)  }
0x146: {  	s6 =	simm.s32 @!p1 $0x0;
	s8 =	sadd.s32 $0x80000010, s24;
	p1 =	sgt.f32 s10, s5  }
0x147: {  	s6 =	smov.u32 @p2 s8;
	s28 =	spop (v2sf)  }
0x148: {  	s7 =	sadd.s32 $0x80000020, s25;
	s5 =	smov.u32 @p1 s10;
	s8 =	spop (v2sf)  }
0x149: {  	s6 =	smov.u32 @p3 s7;
	s9 =	sadd.s32 $0x80000030, s26;
	p2 =	sgt.f32 s8, s5  }
0x14a: {  	s6 =	smov.u32 @p4 s9;
	s7 =	sadd.s32 $0x80000040, s28;
	s29 =	spop (v2sf)  }
0x14b: {  	s6 =	smov.u32 @p1 s7;
	s5 =	smov.u32 @p2 s8;
	s7 =	spop (v2sf)  }
0x14c: {  	s8 =	sadd.s32 $0x80000050, s29;
	p1 =	sgt.f32 s7, s5;
	s30 =	spop (v2sf)  }
0x14d: {  	s6 =	smov.u32 @p2 s8;
	s8 =	sadd.s32 $0x80000060, s30  }
0x14e: {  	s6 =	smov.u32 @p1 s8  }
0x14f: {  	s6 =	scvt.s32.f32 s6;
	_ =	sdelay $0x1  }
0x150: {  	s4 =	smul.f32 s6, s4;
	_ =	sdelay $0x1  }
0x151: {  	v0 =	vmul.f32 s4, v0;
	_ =	sdelay $0x1  }
0x152: {  	(xrf0) =	vmax.scan.msk.f32 $0xffff, v0;
	_ =	sdelay $0x5  }
0x153: {  	v0, _, _ =	vpop (xrf0)  }
0x154: {  	(v2sf) =	vpush v0, $0xF;
	_ =	sdelay $0xc  }
0x155: {  	s5 =	smov.u32 @p1 s7  }
0x156: {  	p1 =	sgt.f32 s5, $-1.000000000e+03  }
0x157: {  	s4 =	spop (v2sf)  }
0x158: {  	s4 =	simm.s32 @!p1 $0x0  }
0x159: {  	v63 =	vmov s4  }
0x15a: {  	v0 =	vadd.f32 $0.0e+00, v63;
	_ =	sdelay $0x1  }
0x15b: {  	v0 =	vbroadcast v0, $0x0;
	_ =	sdelay $0x1  }
0x15c: {  	s31 =	simm.s32 $0x200;
	[tilespmem:$0x200] =	vst v0  }
0x15d: {  	[hbm4b:s1+s2] =	stream.linear.scatter [tilespmem:s31], [sflag:$0x1], $0x80, $0x38;
	[tilespmem:$0x280] =	vst v63  }
0x15e: {  	_ =	swait.ge [sflag:s3], $0x80  }
0x15f: {  	[sflag:s3] =	ssyncset.done $0x0  }
0x160: {  	[sflag:s3] =	ssyncadd.s32 $0xFFFFFF80  }
.LBB2_2:
0x161: {  	_ =	sfence.sel $0x180000  }
0x162: {  	[bflag:$0x0] =	sbarrier.arrive $0xFFFF  }
0x163: {  	_ =	strace $0x90000047  }
0x164: {  	s0 =	sadd.s32 @!p0 $0x100000, s0;
	[bflag:$0x2] =	sbarrier.arrive $0xFFFF  }
0x165: {  	[sflag:s0] =	ssyncadd.tile.s32 @!p0 $0x1;
	_ =	shalt  }
.Lfunc_end2:
_tile_overlayer_lowered:
.L_overlay_start_2:
0x166: {  	(tag) =	ssettag $0x2  }
0x167: {  	s0 =	rddreg [dreg:$0x0];
	s2 =	stileid.u32  }
0x168: {  	s1 =	rddreg [dreg:$0x1];
	p0 =	sne.s32 s2, $0x0  }
0x169: {  	s3 =	rddreg [dreg:$0x2];
	[bflag:$0x3] =	sbarrier.arrive $0xFFFF;
	s2 =	simm.s32 @!p0 $0x1C01  }
0x16a: {  	[timem:s3], [sflag:s2] =	dma.local @!p0 [hbm:s0], s1  }
0x16b: {  	s0 =	simm.s32 @!p0 $0x1  }
0x16c: {  	_ =	swait.ge @!p0 [sflag:s0], s1  }
0x16d: {  	s1 =	ssub.s32 @!p0 $0x0, s1;
	[sflag:s0] =	ssyncset.done @!p0 $0x0  }
0x16e: {  	[sflag:s0] =	ssyncadd.s32 @!p0 s1  }
0x16f: {  	[bflag:$0x3] =	sbarrier.arrive $0xFFFF  }
0x170: {  	_ =	shalt  }

</sc_bundles>
